<compile_context>
chip_gen: v7x
topology: tpu7x:2x2x1
jax: 0.10.2.dev20260603
libtpu: 0.0.44.dev20260713+nightly
codegen_flags: <defaults>
</compile_context>

<pallas_src>
import jax
import jax.numpy as jnp
from jax import lax
from jax.experimental import pallas as pl
from jax.experimental.pallas import tpu as pltpu
from jax.experimental.pallas import tpu_sc as plsc

_NC = 2
_NS = 16
_NW = _NC * _NS
_D = 64
_S = 4096
_T = 200
_LANE = 128
_SUB = 8
_DT = _D // _SUB
_NBUF = 5


def _body(tok_hbm, tab_hbm, out_hbm, idx_v, rows_v, tp_v, gsem, ssem):
    wid = lax.axis_index("s") * _NC + lax.axis_index("c")
    pltpu.sync_copy(tok_hbm.at[:, pl.ds(wid * _LANE, _LANE)], idx_v)

    def gather(j, b):
        return pltpu.make_async_copy(tab_hbm.at[idx_v.at[j]], rows_v.at[b], gsem.at[b])

    def store(j, b):
        return pltpu.make_async_copy(tp_v.at[b], out_hbm.at[j, :, wid], ssem.at[b])

    iota = lax.iota(jnp.int32, 16)
    _c = [(iota + t) & 15 for t in range(16)]
    _n = [((iota + t) & 15) * _LANE + iota for t in range(16)]

    def transpose(b):
        @plsc.parallel_loop(0, (_LANE // 16) * (_D // 16) * 16, unroll=32)
        def _(q):
            blk = q >> 4
            t = q & 15
            ilg = blk >> 2
            dg = blk & 3
            c = (iota + t) & 15
            row = ilg * 16 + iota
            col = dg * 16 + c
            val = plsc.load_gather(rows_v.at[b], [row, col])
            a1 = (c & 7) * _LANE + row
            plsc.store_scatter(tp_v.at[b], [dg * 2 + (c >> 3), a1], val)

    for b in range(_NBUF):
        gather(b, b).start()

    @pl.loop(0, _T, step=_NBUF)
    def _(g):
        for b in range(_NBUF):
            j = g + b
            gather(j, b).wait()

            @pl.when(g > 0)
            def _():
                store(j - _NBUF, b).wait()

            transpose(b)
            store(j, b).start()

            @pl.when(g < _T - _NBUF)
            def _():
                gather(j + _NBUF, b).start()

    for b in range(_NBUF):
        store(_T - _NBUF + b, b).wait()


@jax.jit
def kernel(token_ids, embeddings):
    tok_t = token_ids.T.astype(jnp.int32)
    out5 = pl.kernel(
        _body,
        out_type=jax.ShapeDtypeStruct((_T, _DT, _NW, _SUB * _LANE), jnp.float32),
        mesh=plsc.VectorSubcoreMesh(core_axis_name="c", subcore_axis_name="s"),
        compiler_params=pltpu.CompilerParams(
            use_tc_tiling_on_sc=False, needs_layout_passes=False),
        scratch_types=[
            pltpu.VMEM((_T, _LANE), jnp.int32),
            pltpu.VMEM((_NBUF, _LANE, _D), jnp.float32),
            pltpu.VMEM((_NBUF, _DT, _SUB * _LANE), jnp.float32),
            pltpu.SemaphoreType.DMA((_NBUF,)),
            pltpu.SemaphoreType.DMA((_NBUF,)),
        ],
    )(tok_t, embeddings)
    out5 = out5.reshape(_T, _DT, _NW, _SUB, _LANE)
    return out5.transpose((2, 4, 0, 1, 3)).reshape(_S, _T, _D)

# --- scband reference (transcript-rebuilt; emitter-appended) ---
"""Pipeline reference for scband-embedding-16466904613080 (READ-ONLY COPY).

The authoritative reference and input builder live on the scoring server;
editing this copy changes nothing except your own understanding.
"""

import jax, jax.numpy as jnp
import numpy as np

NUM_EMBEDDINGS = 100000
EMBEDDING_DIM = 64


def _trunc_normal(key, shape, a=-3.0, b=3.0):
    # approximate trunc_normal via truncated_normal primitive
    return jax.random.truncated_normal(key, a, b, shape, dtype=jnp.float32)


def setup_inputs(seed: int = 0) -> dict:
    key = jax.random.key(seed)
    k1, k2 = jax.random.split(key)
    token_ids = jax.random.randint(k1, (4096, 200), 0, NUM_EMBEDDINGS, dtype=jnp.int64 if jax.config.jax_enable_x64 else jnp.int32)
    embeddings = _trunc_normal(k2, (NUM_EMBEDDINGS, EMBEDDING_DIM))
    return {"token_ids": token_ids, "embeddings": embeddings}


def reference(token_ids, embeddings):
    # get_at('[num_embedding] d, ... -> ... d', embeddings, token_ids)
    return jnp.take(embeddings, token_ids, axis=0)

if __name__ == "__main__":
    import jax
    _d = setup_inputs()
    print(jax.jit(kernel)(*tuple(_d.values())))

</pallas_src>

<mosaic_0001>
#map = affine_map<(d0, d1) -> (0, 0)>
#map1 = affine_map<(d0, d1) -> (0, 0, 0, 0)>
module attributes {stable_mosaic.version = 14 : i64} {
  func.func @_body(%arg0: i32, %arg1: i32, %arg2: memref<200x4096xi32, #tpu.memory_space<hbm>>, %arg3: memref<100000x64xf32, #tpu.memory_space<hbm>>, %arg4: memref<200x8x32x1024xf32, #tpu.memory_space<hbm>>, %arg5: memref<200x128xi32, #tpu.memory_space<vmem>>, %arg6: memref<5x128x64xf32, #tpu.memory_space<vmem>>, %arg7: memref<5x8x1024xf32, #tpu.memory_space<vmem>>, %arg8: memref<5x!tpu.dma_semaphore, #tpu.memory_space<semaphore_mem>>, %arg9: memref<5x!tpu.dma_semaphore, #tpu.memory_space<semaphore_mem>>) attributes {dimension_semantics = [#tpu.dimension_semantics<core_parallel>, #tpu.dimension_semantics<subcore_parallel>], iteration_bounds = array<i64: 2, 16>, scalar_prefetch = 0 : i64, scratch_operands = 5 : i64, tpu.core_type = #tpu.core_type<sc_vector_subcore>, window_params = [{transform_indices = #map}, {transform_indices = #map}, {transform_indices = #map1}]} {
    %mul3A = arith.constant 2 : i32
    %mul3A_0 = arith.muli %arg1, %mul3A : i32
    %add3A = arith.addi %mul3A_0, %arg0 : i32
    %mul3A_1 = arith.constant 128 : i32
    %mul3A_2 = arith.muli %add3A, %mul3A_1 : i32
    "tpu.region"() ({
      %run_scoped3A = tpu.sem_alloc : memref<!tpu.dma_semaphore, #tpu.memory_space<semaphore_mem>>
      %dma_start3A_440 = arith.constant 0 : i32
      %dma_start3A_441 = tpu.memref_slice %arg2[%dma_start3A_440, %mul3A_2] : memref<200x4096xi32, #tpu.memory_space<hbm>> -> memref<200x128xi32, #tpu.memory_space<hbm>>
      %dma_start3A_442 = arith.constant 0 : i32
      %dma_start3A_443 = tpu.memref_slice %arg2[%dma_start3A_442, %mul3A_2] : memref<200x4096xi32, #tpu.memory_space<hbm>> -> memref<200x128xi32, #tpu.memory_space<hbm>>
      tpu.enqueue_dma source(%dma_start3A_443 : memref<200x128xi32, #tpu.memory_space<hbm>>) target(%arg5 : memref<200x128xi32, #tpu.memory_space<vmem>>) target_semaphore(%run_scoped3A : memref<!tpu.dma_semaphore, #tpu.memory_space<semaphore_mem>>)
      %dma_wait3A_444 = arith.constant 0 : i32
      %dma_wait3A_445 = tpu.memref_slice %arg2[%dma_wait3A_444, %mul3A_2] : memref<200x4096xi32, #tpu.memory_space<hbm>> -> memref<200x128xi32, #tpu.memory_space<hbm>>
      %dma_wait3A_446 = arith.constant 0 : i32
      %dma_wait3A_447 = tpu.memref_slice %arg2[%dma_wait3A_446, %mul3A_2] : memref<200x4096xi32, #tpu.memory_space<hbm>> -> memref<200x128xi32, #tpu.memory_space<hbm>>
      tpu.wait_dma2 semaphore(%run_scoped3A : memref<!tpu.dma_semaphore, #tpu.memory_space<semaphore_mem>>) src(%dma_wait3A_447 : memref<200x128xi32, #tpu.memory_space<hbm>>) dst(%arg5 : memref<200x128xi32, #tpu.memory_space<vmem>>)
      tpu.yield
    }) : () -> ()
    %iota3A = tpu.iota {dimensions = array<i32: 0>} : vector<16xi32>
    %add3A_3 = arith.constant 0 : i32
    %add3A_4 = vector.broadcast %add3A_3 : i32 to vector<16xi32>
    %add3A_5 = arith.addi %iota3A, %add3A_4 : vector<16xi32>
    %and3A = arith.constant 15 : i32
    %and3A_6 = vector.broadcast %and3A : i32 to vector<16xi32>
    %and3A_7 = arith.andi %add3A_5, %and3A_6 : vector<16xi32>
    %add3A_8 = arith.constant 1 : i32
    %add3A_9 = vector.broadcast %add3A_8 : i32 to vector<16xi32>
    %add3A_10 = arith.addi %iota3A, %add3A_9 : vector<16xi32>
    %and3A_11 = arith.constant 15 : i32
    %and3A_12 = vector.broadcast %and3A_11 : i32 to vector<16xi32>
    %and3A_13 = arith.andi %add3A_10, %and3A_12 : vector<16xi32>
    %add3A_14 = arith.constant 2 : i32
    %add3A_15 = vector.broadcast %add3A_14 : i32 to vector<16xi32>
    %add3A_16 = arith.addi %iota3A, %add3A_15 : vector<16xi32>
    %and3A_17 = arith.constant 15 : i32
    %and3A_18 = vector.broadcast %and3A_17 : i32 to vector<16xi32>
    %and3A_19 = arith.andi %add3A_16, %and3A_18 : vector<16xi32>
    %add3A_20 = arith.constant 3 : i32
    %add3A_21 = vector.broadcast %add3A_20 : i32 to vector<16xi32>
    %add3A_22 = arith.addi %iota3A, %add3A_21 : vector<16xi32>
    %and3A_23 = arith.constant 15 : i32
    %and3A_24 = vector.broadcast %and3A_23 : i32 to vector<16xi32>
    %and3A_25 = arith.andi %add3A_22, %and3A_24 : vector<16xi32>
    %add3A_26 = arith.constant 4 : i32
    %add3A_27 = vector.broadcast %add3A_26 : i32 to vector<16xi32>
    %add3A_28 = arith.addi %iota3A, %add3A_27 : vector<16xi32>
    %and3A_29 = arith.constant 15 : i32
    %and3A_30 = vector.broadcast %and3A_29 : i32 to vector<16xi32>
    %and3A_31 = arith.andi %add3A_28, %and3A_30 : vector<16xi32>
    %add3A_32 = arith.constant 5 : i32
    %add3A_33 = vector.broadcast %add3A_32 : i32 to vector<16xi32>
    %add3A_34 = arith.addi %iota3A, %add3A_33 : vector<16xi32>
    %and3A_35 = arith.constant 15 : i32
    %and3A_36 = vector.broadcast %and3A_35 : i32 to vector<16xi32>
    %and3A_37 = arith.andi %add3A_34, %and3A_36 : vector<16xi32>
    %add3A_38 = arith.constant 6 : i32
    %add3A_39 = vector.broadcast %add3A_38 : i32 to vector<16xi32>
    %add3A_40 = arith.addi %iota3A, %add3A_39 : vector<16xi32>
    %and3A_41 = arith.constant 15 : i32
    %and3A_42 = vector.broadcast %and3A_41 : i32 to vector<16xi32>
    %and3A_43 = arith.andi %add3A_40, %and3A_42 : vector<16xi32>
    %add3A_44 = arith.constant 7 : i32
    %add3A_45 = vector.broadcast %add3A_44 : i32 to vector<16xi32>
    %add3A_46 = arith.addi %iota3A, %add3A_45 : vector<16xi32>
    %and3A_47 = arith.constant 15 : i32
    %and3A_48 = vector.broadcast %and3A_47 : i32 to vector<16xi32>
    %and3A_49 = arith.andi %add3A_46, %and3A_48 : vector<16xi32>
    %add3A_50 = arith.constant 8 : i32
    %add3A_51 = vector.broadcast %add3A_50 : i32 to vector<16xi32>
    %add3A_52 = arith.addi %iota3A, %add3A_51 : vector<16xi32>
    %and3A_53 = arith.constant 15 : i32
    %and3A_54 = vector.broadcast %and3A_53 : i32 to vector<16xi32>
    %and3A_55 = arith.andi %add3A_52, %and3A_54 : vector<16xi32>
    %add3A_56 = arith.constant 9 : i32
    %add3A_57 = vector.broadcast %add3A_56 : i32 to vector<16xi32>
    %add3A_58 = arith.addi %iota3A, %add3A_57 : vector<16xi32>
    %and3A_59 = arith.constant 15 : i32
    %and3A_60 = vector.broadcast %and3A_59 : i32 to vector<16xi32>
    %and3A_61 = arith.andi %add3A_58, %and3A_60 : vector<16xi32>
    %add3A_62 = arith.constant 10 : i32
    %add3A_63 = vector.broadcast %add3A_62 : i32 to vector<16xi32>
    %add3A_64 = arith.addi %iota3A, %add3A_63 : vector<16xi32>
    %and3A_65 = arith.constant 15 : i32
    %and3A_66 = vector.broadcast %and3A_65 : i32 to vector<16xi32>
    %and3A_67 = arith.andi %add3A_64, %and3A_66 : vector<16xi32>
    %add3A_68 = arith.constant 11 : i32
    %add3A_69 = vector.broadcast %add3A_68 : i32 to vector<16xi32>
    %add3A_70 = arith.addi %iota3A, %add3A_69 : vector<16xi32>
    %and3A_71 = arith.constant 15 : i32
    %and3A_72 = vector.broadcast %and3A_71 : i32 to vector<16xi32>
    %and3A_73 = arith.andi %add3A_70, %and3A_72 : vector<16xi32>
    %add3A_74 = arith.constant 12 : i32
    %add3A_75 = vector.broadcast %add3A_74 : i32 to vector<16xi32>
    %add3A_76 = arith.addi %iota3A, %add3A_75 : vector<16xi32>
    %and3A_77 = arith.constant 15 : i32
    %and3A_78 = vector.broadcast %and3A_77 : i32 to vector<16xi32>
    %and3A_79 = arith.andi %add3A_76, %and3A_78 : vector<16xi32>
    %add3A_80 = arith.constant 13 : i32
    %add3A_81 = vector.broadcast %add3A_80 : i32 to vector<16xi32>
    %add3A_82 = arith.addi %iota3A, %add3A_81 : vector<16xi32>
    %and3A_83 = arith.constant 15 : i32
    %and3A_84 = vector.broadcast %and3A_83 : i32 to vector<16xi32>
    %and3A_85 = arith.andi %add3A_82, %and3A_84 : vector<16xi32>
    %add3A_86 = arith.constant 14 : i32
    %add3A_87 = vector.broadcast %add3A_86 : i32 to vector<16xi32>
    %add3A_88 = arith.addi %iota3A, %add3A_87 : vector<16xi32>
    %and3A_89 = arith.constant 15 : i32
    %and3A_90 = vector.broadcast %and3A_89 : i32 to vector<16xi32>
    %and3A_91 = arith.andi %add3A_88, %and3A_90 : vector<16xi32>
    %add3A_92 = arith.constant 15 : i32
    %add3A_93 = vector.broadcast %add3A_92 : i32 to vector<16xi32>
    %add3A_94 = arith.addi %iota3A, %add3A_93 : vector<16xi32>
    %and3A_95 = arith.constant 15 : i32
    %and3A_96 = vector.broadcast %and3A_95 : i32 to vector<16xi32>
    %and3A_97 = arith.andi %add3A_94, %and3A_96 : vector<16xi32>
    %add3A_98 = arith.constant 0 : i32
    %add3A_99 = vector.broadcast %add3A_98 : i32 to vector<16xi32>
    %add3A_100 = arith.addi %iota3A, %add3A_99 : vector<16xi32>
    %and3A_101 = arith.constant 15 : i32
    %and3A_102 = vector.broadcast %and3A_101 : i32 to vector<16xi32>
    %and3A_103 = arith.andi %add3A_100, %and3A_102 : vector<16xi32>
    %mul3A_104 = arith.constant 128 : i32
    %mul3A_105 = vector.broadcast %mul3A_104 : i32 to vector<16xi32>
    %mul3A_106 = arith.muli %and3A_103, %mul3A_105 : vector<16xi32>
    %add3A_107 = arith.addi %mul3A_106, %iota3A : vector<16xi32>
    %add3A_108 = arith.constant 1 : i32
    %add3A_109 = vector.broadcast %add3A_108 : i32 to vector<16xi32>
    %add3A_110 = arith.addi %iota3A, %add3A_109 : vector<16xi32>
    %and3A_111 = arith.constant 15 : i32
    %and3A_112 = vector.broadcast %and3A_111 : i32 to vector<16xi32>
    %and3A_113 = arith.andi %add3A_110, %and3A_112 : vector<16xi32>
    %mul3A_114 = arith.constant 128 : i32
    %mul3A_115 = vector.broadcast %mul3A_114 : i32 to vector<16xi32>
    %mul3A_116 = arith.muli %and3A_113, %mul3A_115 : vector<16xi32>
    %add3A_117 = arith.addi %mul3A_116, %iota3A : vector<16xi32>
    %add3A_118 = arith.constant 2 : i32
    %add3A_119 = vector.broadcast %add3A_118 : i32 to vector<16xi32>
    %add3A_120 = arith.addi %iota3A, %add3A_119 : vector<16xi32>
    %and3A_121 = arith.constant 15 : i32
    %and3A_122 = vector.broadcast %and3A_121 : i32 to vector<16xi32>
    %and3A_123 = arith.andi %add3A_120, %and3A_122 : vector<16xi32>
    %mul3A_124 = arith.constant 128 : i32
    %mul3A_125 = vector.broadcast %mul3A_124 : i32 to vector<16xi32>
    %mul3A_126 = arith.muli %and3A_123, %mul3A_125 : vector<16xi32>
    %add3A_127 = arith.addi %mul3A_126, %iota3A : vector<16xi32>
    %add3A_128 = arith.constant 3 : i32
    %add3A_129 = vector.broadcast %add3A_128 : i32 to vector<16xi32>
    %add3A_130 = arith.addi %iota3A, %add3A_129 : vector<16xi32>
    %and3A_131 = arith.constant 15 : i32
    %and3A_132 = vector.broadcast %and3A_131 : i32 to vector<16xi32>
    %and3A_133 = arith.andi %add3A_130, %and3A_132 : vector<16xi32>
    %mul3A_134 = arith.constant 128 : i32
    %mul3A_135 = vector.broadcast %mul3A_134 : i32 to vector<16xi32>
    %mul3A_136 = arith.muli %and3A_133, %mul3A_135 : vector<16xi32>
    %add3A_137 = arith.addi %mul3A_136, %iota3A : vector<16xi32>
    %add3A_138 = arith.constant 4 : i32
    %add3A_139 = vector.broadcast %add3A_138 : i32 to vector<16xi32>
    %add3A_140 = arith.addi %iota3A, %add3A_139 : vector<16xi32>
    %and3A_141 = arith.constant 15 : i32
    %and3A_142 = vector.broadcast %and3A_141 : i32 to vector<16xi32>
    %and3A_143 = arith.andi %add3A_140, %and3A_142 : vector<16xi32>
    %mul3A_144 = arith.constant 128 : i32
    %mul3A_145 = vector.broadcast %mul3A_144 : i32 to vector<16xi32>
    %mul3A_146 = arith.muli %and3A_143, %mul3A_145 : vector<16xi32>
    %add3A_147 = arith.addi %mul3A_146, %iota3A : vector<16xi32>
    %add3A_148 = arith.constant 5 : i32
    %add3A_149 = vector.broadcast %add3A_148 : i32 to vector<16xi32>
    %add3A_150 = arith.addi %iota3A, %add3A_149 : vector<16xi32>
    %and3A_151 = arith.constant 15 : i32
    %and3A_152 = vector.broadcast %and3A_151 : i32 to vector<16xi32>
    %and3A_153 = arith.andi %add3A_150, %and3A_152 : vector<16xi32>
    %mul3A_154 = arith.constant 128 : i32
    %mul3A_155 = vector.broadcast %mul3A_154 : i32 to vector<16xi32>
    %mul3A_156 = arith.muli %and3A_153, %mul3A_155 : vector<16xi32>
    %add3A_157 = arith.addi %mul3A_156, %iota3A : vector<16xi32>
    %add3A_158 = arith.constant 6 : i32
    %add3A_159 = vector.broadcast %add3A_158 : i32 to vector<16xi32>
    %add3A_160 = arith.addi %iota3A, %add3A_159 : vector<16xi32>
    %and3A_161 = arith.constant 15 : i32
    %and3A_162 = vector.broadcast %and3A_161 : i32 to vector<16xi32>
    %and3A_163 = arith.andi %add3A_160, %and3A_162 : vector<16xi32>
    %mul3A_164 = arith.constant 128 : i32
    %mul3A_165 = vector.broadcast %mul3A_164 : i32 to vector<16xi32>
    %mul3A_166 = arith.muli %and3A_163, %mul3A_165 : vector<16xi32>
    %add3A_167 = arith.addi %mul3A_166, %iota3A : vector<16xi32>
    %add3A_168 = arith.constant 7 : i32
    %add3A_169 = vector.broadcast %add3A_168 : i32 to vector<16xi32>
    %add3A_170 = arith.addi %iota3A, %add3A_169 : vector<16xi32>
    %and3A_171 = arith.constant 15 : i32
    %and3A_172 = vector.broadcast %and3A_171 : i32 to vector<16xi32>
    %and3A_173 = arith.andi %add3A_170, %and3A_172 : vector<16xi32>
    %mul3A_174 = arith.constant 128 : i32
    %mul3A_175 = vector.broadcast %mul3A_174 : i32 to vector<16xi32>
    %mul3A_176 = arith.muli %and3A_173, %mul3A_175 : vector<16xi32>
    %add3A_177 = arith.addi %mul3A_176, %iota3A : vector<16xi32>
    %add3A_178 = arith.constant 8 : i32
    %add3A_179 = vector.broadcast %add3A_178 : i32 to vector<16xi32>
    %add3A_180 = arith.addi %iota3A, %add3A_179 : vector<16xi32>
    %and3A_181 = arith.constant 15 : i32
    %and3A_182 = vector.broadcast %and3A_181 : i32 to vector<16xi32>
    %and3A_183 = arith.andi %add3A_180, %and3A_182 : vector<16xi32>
    %mul3A_184 = arith.constant 128 : i32
    %mul3A_185 = vector.broadcast %mul3A_184 : i32 to vector<16xi32>
    %mul3A_186 = arith.muli %and3A_183, %mul3A_185 : vector<16xi32>
    %add3A_187 = arith.addi %mul3A_186, %iota3A : vector<16xi32>
    %add3A_188 = arith.constant 9 : i32
    %add3A_189 = vector.broadcast %add3A_188 : i32 to vector<16xi32>
    %add3A_190 = arith.addi %iota3A, %add3A_189 : vector<16xi32>
    %and3A_191 = arith.constant 15 : i32
    %and3A_192 = vector.broadcast %and3A_191 : i32 to vector<16xi32>
    %and3A_193 = arith.andi %add3A_190, %and3A_192 : vector<16xi32>
    %mul3A_194 = arith.constant 128 : i32
    %mul3A_195 = vector.broadcast %mul3A_194 : i32 to vector<16xi32>
    %mul3A_196 = arith.muli %and3A_193, %mul3A_195 : vector<16xi32>
    %add3A_197 = arith.addi %mul3A_196, %iota3A : vector<16xi32>
    %add3A_198 = arith.constant 10 : i32
    %add3A_199 = vector.broadcast %add3A_198 : i32 to vector<16xi32>
    %add3A_200 = arith.addi %iota3A, %add3A_199 : vector<16xi32>
    %and3A_201 = arith.constant 15 : i32
    %and3A_202 = vector.broadcast %and3A_201 : i32 to vector<16xi32>
    %and3A_203 = arith.andi %add3A_200, %and3A_202 : vector<16xi32>
    %mul3A_204 = arith.constant 128 : i32
    %mul3A_205 = vector.broadcast %mul3A_204 : i32 to vector<16xi32>
    %mul3A_206 = arith.muli %and3A_203, %mul3A_205 : vector<16xi32>
    %add3A_207 = arith.addi %mul3A_206, %iota3A : vector<16xi32>
    %add3A_208 = arith.constant 11 : i32
    %add3A_209 = vector.broadcast %add3A_208 : i32 to vector<16xi32>
    %add3A_210 = arith.addi %iota3A, %add3A_209 : vector<16xi32>
    %and3A_211 = arith.constant 15 : i32
    %and3A_212 = vector.broadcast %and3A_211 : i32 to vector<16xi32>
    %and3A_213 = arith.andi %add3A_210, %and3A_212 : vector<16xi32>
    %mul3A_214 = arith.constant 128 : i32
    %mul3A_215 = vector.broadcast %mul3A_214 : i32 to vector<16xi32>
    %mul3A_216 = arith.muli %and3A_213, %mul3A_215 : vector<16xi32>
    %add3A_217 = arith.addi %mul3A_216, %iota3A : vector<16xi32>
    %add3A_218 = arith.constant 12 : i32
    %add3A_219 = vector.broadcast %add3A_218 : i32 to vector<16xi32>
    %add3A_220 = arith.addi %iota3A, %add3A_219 : vector<16xi32>
    %and3A_221 = arith.constant 15 : i32
    %and3A_222 = vector.broadcast %and3A_221 : i32 to vector<16xi32>
    %and3A_223 = arith.andi %add3A_220, %and3A_222 : vector<16xi32>
    %mul3A_224 = arith.constant 128 : i32
    %mul3A_225 = vector.broadcast %mul3A_224 : i32 to vector<16xi32>
    %mul3A_226 = arith.muli %and3A_223, %mul3A_225 : vector<16xi32>
    %add3A_227 = arith.addi %mul3A_226, %iota3A : vector<16xi32>
    %add3A_228 = arith.constant 13 : i32
    %add3A_229 = vector.broadcast %add3A_228 : i32 to vector<16xi32>
    %add3A_230 = arith.addi %iota3A, %add3A_229 : vector<16xi32>
    %and3A_231 = arith.constant 15 : i32
    %and3A_232 = vector.broadcast %and3A_231 : i32 to vector<16xi32>
    %and3A_233 = arith.andi %add3A_230, %and3A_232 : vector<16xi32>
    %mul3A_234 = arith.constant 128 : i32
    %mul3A_235 = vector.broadcast %mul3A_234 : i32 to vector<16xi32>
    %mul3A_236 = arith.muli %and3A_233, %mul3A_235 : vector<16xi32>
    %add3A_237 = arith.addi %mul3A_236, %iota3A : vector<16xi32>
    %add3A_238 = arith.constant 14 : i32
    %add3A_239 = vector.broadcast %add3A_238 : i32 to vector<16xi32>
    %add3A_240 = arith.addi %iota3A, %add3A_239 : vector<16xi32>
    %and3A_241 = arith.constant 15 : i32
    %and3A_242 = vector.broadcast %and3A_241 : i32 to vector<16xi32>
    %and3A_243 = arith.andi %add3A_240, %and3A_242 : vector<16xi32>
    %mul3A_244 = arith.constant 128 : i32
    %mul3A_245 = vector.broadcast %mul3A_244 : i32 to vector<16xi32>
    %mul3A_246 = arith.muli %and3A_243, %mul3A_245 : vector<16xi32>
    %add3A_247 = arith.addi %mul3A_246, %iota3A : vector<16xi32>
    %add3A_248 = arith.constant 15 : i32
    %add3A_249 = vector.broadcast %add3A_248 : i32 to vector<16xi32>
    %add3A_250 = arith.addi %iota3A, %add3A_249 : vector<16xi32>
    %and3A_251 = arith.constant 15 : i32
    %and3A_252 = vector.broadcast %and3A_251 : i32 to vector<16xi32>
    %and3A_253 = arith.andi %add3A_250, %and3A_252 : vector<16xi32>
    %mul3A_254 = arith.constant 128 : i32
    %mul3A_255 = vector.broadcast %mul3A_254 : i32 to vector<16xi32>
    %mul3A_256 = arith.muli %and3A_253, %mul3A_255 : vector<16xi32>
    %add3A_257 = arith.addi %mul3A_256, %iota3A : vector<16xi32>
    %dma_start3A = arith.constant 0 : i32
    %dma_start3A_258 = arith.constant 0 : i32
    %dma_start3A_259 = arith.constant 0 : i32
    %dma_start3A_260 = arith.constant 0 : i32
    %dma_start3A_261 = arith.constant 0 : i32
    %dma_start3A_262 = tpu.memref_slice %arg6[%dma_start3A_258, %dma_start3A_260, %dma_start3A_261] : memref<5x128x64xf32, #tpu.memory_space<vmem>> -> memref<1x128x64xf32, #tpu.memory_space<vmem>>
    %dma_start3A_263 = tpu.memref_squeeze %dma_start3A_262 : memref<1x128x64xf32, #tpu.memory_space<vmem>> -> memref<128x64xf32, #tpu.memory_space<vmem>>
    %dma_start3A_264 = arith.constant 0 : i32
    %dma_start3A_265 = tpu.memref_slice %arg5[%dma_start3A, %dma_start3A_264] : memref<200x128xi32, #tpu.memory_space<vmem>> -> memref<1x128xi32, #tpu.memory_space<vmem>>
    %dma_start3A_266 = tpu.memref_squeeze %dma_start3A_265 : memref<1x128xi32, #tpu.memory_space<vmem>> -> memref<128xi32, #tpu.memory_space<vmem>>
    %dma_start3A_267 = arith.constant 0 : i32
    %dma_start3A_268 = arith.constant 0 : i32
    %dma_start3A_269 = tpu.memref_slice %arg3[%dma_start3A_267, %dma_start3A_268] : memref<100000x64xf32, #tpu.memory_space<hbm>> -> memref<100000x64xf32, #tpu.memory_space<hbm>>
    %dma_start3A_270 = tpu.memref_slice %arg8[%dma_start3A_259] : memref<5x!tpu.dma_semaphore, #tpu.memory_space<semaphore_mem>> -> memref<1x!tpu.dma_semaphore, #tpu.memory_space<semaphore_mem>>
    %dma_start3A_271 = tpu.memref_squeeze %dma_start3A_270 : memref<1x!tpu.dma_semaphore, #tpu.memory_space<semaphore_mem>> -> memref<!tpu.dma_semaphore, #tpu.memory_space<semaphore_mem>>
    tpu.enqueue_indirect_dma source(%dma_start3A_269 : memref<100000x64xf32, #tpu.memory_space<hbm>>) target(%dma_start3A_263 : memref<128x64xf32, #tpu.memory_space<vmem>>) offsets(%dma_start3A_266 : memref<128xi32, #tpu.memory_space<vmem>>) semaphore(%dma_start3A_271 : memref<!tpu.dma_semaphore, #tpu.memory_space<semaphore_mem>>)
    %dma_start3A_272 = arith.constant 1 : i32
    %dma_start3A_273 = arith.constant 1 : i32
    %dma_start3A_274 = arith.constant 1 : i32
    %dma_start3A_275 = arith.constant 0 : i32
    %dma_start3A_276 = arith.constant 0 : i32
    %dma_start3A_277 = tpu.memref_slice %arg6[%dma_start3A_273, %dma_start3A_275, %dma_start3A_276] : memref<5x128x64xf32, #tpu.memory_space<vmem>> -> memref<1x128x64xf32, #tpu.memory_space<vmem>>
    %dma_start3A_278 = tpu.memref_squeeze %dma_start3A_277 : memref<1x128x64xf32, #tpu.memory_space<vmem>> -> memref<128x64xf32, #tpu.memory_space<vmem>>
    %dma_start3A_279 = arith.constant 0 : i32
    %dma_start3A_280 = tpu.memref_slice %arg5[%dma_start3A_272, %dma_start3A_279] : memref<200x128xi32, #tpu.memory_space<vmem>> -> memref<1x128xi32, #tpu.memory_space<vmem>>
    %dma_start3A_281 = tpu.memref_squeeze %dma_start3A_280 : memref<1x128xi32, #tpu.memory_space<vmem>> -> memref<128xi32, #tpu.memory_space<vmem>>
    %dma_start3A_282 = arith.constant 0 : i32
    %dma_start3A_283 = arith.constant 0 : i32
    %dma_start3A_284 = tpu.memref_slice %arg3[%dma_start3A_282, %dma_start3A_283] : memref<100000x64xf32, #tpu.memory_space<hbm>> -> memref<100000x64xf32, #tpu.memory_space<hbm>>
    %dma_start3A_285 = tpu.memref_slice %arg8[%dma_start3A_274] : memref<5x!tpu.dma_semaphore, #tpu.memory_space<semaphore_mem>> -> memref<1x!tpu.dma_semaphore, #tpu.memory_space<semaphore_mem>>
    %dma_start3A_286 = tpu.memref_squeeze %dma_start3A_285 : memref<1x!tpu.dma_semaphore, #tpu.memory_space<semaphore_mem>> -> memref<!tpu.dma_semaphore, #tpu.memory_space<semaphore_mem>>
    tpu.enqueue_indirect_dma source(%dma_start3A_284 : memref<100000x64xf32, #tpu.memory_space<hbm>>) target(%dma_start3A_278 : memref<128x64xf32, #tpu.memory_space<vmem>>) offsets(%dma_start3A_281 : memref<128xi32, #tpu.memory_space<vmem>>) semaphore(%dma_start3A_286 : memref<!tpu.dma_semaphore, #tpu.memory_space<semaphore_mem>>)
    %dma_start3A_287 = arith.constant 2 : i32
    %dma_start3A_288 = arith.constant 2 : i32
    %dma_start3A_289 = arith.constant 2 : i32
    %dma_start3A_290 = arith.constant 0 : i32
    %dma_start3A_291 = arith.constant 0 : i32
    %dma_start3A_292 = tpu.memref_slice %arg6[%dma_start3A_288, %dma_start3A_290, %dma_start3A_291] : memref<5x128x64xf32, #tpu.memory_space<vmem>> -> memref<1x128x64xf32, #tpu.memory_space<vmem>>
    %dma_start3A_293 = tpu.memref_squeeze %dma_start3A_292 : memref<1x128x64xf32, #tpu.memory_space<vmem>> -> memref<128x64xf32, #tpu.memory_space<vmem>>
    %dma_start3A_294 = arith.constant 0 : i32
    %dma_start3A_295 = tpu.memref_slice %arg5[%dma_start3A_287, %dma_start3A_294] : memref<200x128xi32, #tpu.memory_space<vmem>> -> memref<1x128xi32, #tpu.memory_space<vmem>>
    %dma_start3A_296 = tpu.memref_squeeze %dma_start3A_295 : memref<1x128xi32, #tpu.memory_space<vmem>> -> memref<128xi32, #tpu.memory_space<vmem>>
    %dma_start3A_297 = arith.constant 0 : i32
    %dma_start3A_298 = arith.constant 0 : i32
    %dma_start3A_299 = tpu.memref_slice %arg3[%dma_start3A_297, %dma_start3A_298] : memref<100000x64xf32, #tpu.memory_space<hbm>> -> memref<100000x64xf32, #tpu.memory_space<hbm>>
    %dma_start3A_300 = tpu.memref_slice %arg8[%dma_start3A_289] : memref<5x!tpu.dma_semaphore, #tpu.memory_space<semaphore_mem>> -> memref<1x!tpu.dma_semaphore, #tpu.memory_space<semaphore_mem>>
    %dma_start3A_301 = tpu.memref_squeeze %dma_start3A_300 : memref<1x!tpu.dma_semaphore, #tpu.memory_space<semaphore_mem>> -> memref<!tpu.dma_semaphore, #tpu.memory_space<semaphore_mem>>
    tpu.enqueue_indirect_dma source(%dma_start3A_299 : memref<100000x64xf32, #tpu.memory_space<hbm>>) target(%dma_start3A_293 : memref<128x64xf32, #tpu.memory_space<vmem>>) offsets(%dma_start3A_296 : memref<128xi32, #tpu.memory_space<vmem>>) semaphore(%dma_start3A_301 : memref<!tpu.dma_semaphore, #tpu.memory_space<semaphore_mem>>)
    %dma_start3A_302 = arith.constant 3 : i32
    %dma_start3A_303 = arith.constant 3 : i32
    %dma_start3A_304 = arith.constant 3 : i32
    %dma_start3A_305 = arith.constant 0 : i32
    %dma_start3A_306 = arith.constant 0 : i32
    %dma_start3A_307 = tpu.memref_slice %arg6[%dma_start3A_303, %dma_start3A_305, %dma_start3A_306] : memref<5x128x64xf32, #tpu.memory_space<vmem>> -> memref<1x128x64xf32, #tpu.memory_space<vmem>>
    %dma_start3A_308 = tpu.memref_squeeze %dma_start3A_307 : memref<1x128x64xf32, #tpu.memory_space<vmem>> -> memref<128x64xf32, #tpu.memory_space<vmem>>
    %dma_start3A_309 = arith.constant 0 : i32
    %dma_start3A_310 = tpu.memref_slice %arg5[%dma_start3A_302, %dma_start3A_309] : memref<200x128xi32, #tpu.memory_space<vmem>> -> memref<1x128xi32, #tpu.memory_space<vmem>>
    %dma_start3A_311 = tpu.memref_squeeze %dma_start3A_310 : memref<1x128xi32, #tpu.memory_space<vmem>> -> memref<128xi32, #tpu.memory_space<vmem>>
    %dma_start3A_312 = arith.constant 0 : i32
    %dma_start3A_313 = arith.constant 0 : i32
    %dma_start3A_314 = tpu.memref_slice %arg3[%dma_start3A_312, %dma_start3A_313] : memref<100000x64xf32, #tpu.memory_space<hbm>> -> memref<100000x64xf32, #tpu.memory_space<hbm>>
    %dma_start3A_315 = tpu.memref_slice %arg8[%dma_start3A_304] : memref<5x!tpu.dma_semaphore, #tpu.memory_space<semaphore_mem>> -> memref<1x!tpu.dma_semaphore, #tpu.memory_space<semaphore_mem>>
    %dma_start3A_316 = tpu.memref_squeeze %dma_start3A_315 : memref<1x!tpu.dma_semaphore, #tpu.memory_space<semaphore_mem>> -> memref<!tpu.dma_semaphore, #tpu.memory_space<semaphore_mem>>
    tpu.enqueue_indirect_dma source(%dma_start3A_314 : memref<100000x64xf32, #tpu.memory_space<hbm>>) target(%dma_start3A_308 : memref<128x64xf32, #tpu.memory_space<vmem>>) offsets(%dma_start3A_311 : memref<128xi32, #tpu.memory_space<vmem>>) semaphore(%dma_start3A_316 : memref<!tpu.dma_semaphore, #tpu.memory_space<semaphore_mem>>)
    %dma_start3A_317 = arith.constant 4 : i32
    %dma_start3A_318 = arith.constant 4 : i32
    %dma_start3A_319 = arith.constant 4 : i32
    %dma_start3A_320 = arith.constant 0 : i32
    %dma_start3A_321 = arith.constant 0 : i32
    %dma_start3A_322 = tpu.memref_slice %arg6[%dma_start3A_318, %dma_start3A_320, %dma_start3A_321] : memref<5x128x64xf32, #tpu.memory_space<vmem>> -> memref<1x128x64xf32, #tpu.memory_space<vmem>>
    %dma_start3A_323 = tpu.memref_squeeze %dma_start3A_322 : memref<1x128x64xf32, #tpu.memory_space<vmem>> -> memref<128x64xf32, #tpu.memory_space<vmem>>
    %dma_start3A_324 = arith.constant 0 : i32
    %dma_start3A_325 = tpu.memref_slice %arg5[%dma_start3A_317, %dma_start3A_324] : memref<200x128xi32, #tpu.memory_space<vmem>> -> memref<1x128xi32, #tpu.memory_space<vmem>>
    %dma_start3A_326 = tpu.memref_squeeze %dma_start3A_325 : memref<1x128xi32, #tpu.memory_space<vmem>> -> memref<128xi32, #tpu.memory_space<vmem>>
    %dma_start3A_327 = arith.constant 0 : i32
    %dma_start3A_328 = arith.constant 0 : i32
    %dma_start3A_329 = tpu.memref_slice %arg3[%dma_start3A_327, %dma_start3A_328] : memref<100000x64xf32, #tpu.memory_space<hbm>> -> memref<100000x64xf32, #tpu.memory_space<hbm>>
    %dma_start3A_330 = tpu.memref_slice %arg8[%dma_start3A_319] : memref<5x!tpu.dma_semaphore, #tpu.memory_space<semaphore_mem>> -> memref<1x!tpu.dma_semaphore, #tpu.memory_space<semaphore_mem>>
    %dma_start3A_331 = tpu.memref_squeeze %dma_start3A_330 : memref<1x!tpu.dma_semaphore, #tpu.memory_space<semaphore_mem>> -> memref<!tpu.dma_semaphore, #tpu.memory_space<semaphore_mem>>
    tpu.enqueue_indirect_dma source(%dma_start3A_329 : memref<100000x64xf32, #tpu.memory_space<hbm>>) target(%dma_start3A_323 : memref<128x64xf32, #tpu.memory_space<vmem>>) offsets(%dma_start3A_326 : memref<128xi32, #tpu.memory_space<vmem>>) semaphore(%dma_start3A_331 : memref<!tpu.dma_semaphore, #tpu.memory_space<semaphore_mem>>)
    %scan3A = arith.constant 0 : i32
    %scan3A_332 = arith.constant 40 : i32
    %scan3A_333 = arith.addi %scan3A, %scan3A_332 : i32
    %scan3A_334 = arith.constant 1 : i32
    scf.for %scan3A_440 = %scan3A to %scan3A_333 step %scan3A_334  : i32 {
      %mul3A_441 = arith.constant 5 : i32
      %mul3A_442 = arith.muli %scan3A_440, %mul3A_441 : i32
      %add3A_443 = arith.constant 0 : i32
      %add3A_444 = arith.addi %add3A_443, %mul3A_442 : i32
      %add3A_445 = arith.constant 0 : i32
      %add3A_446 = arith.addi %add3A_444, %add3A_445 : i32
      %dma_wait3A_447 = arith.constant 0 : i32
      %dma_wait3A_448 = arith.constant 0 : i32
      %dma_wait3A_449 = arith.constant 0 : i32
      %dma_wait3A_450 = arith.constant 0 : i32
      %dma_wait3A_451 = tpu.memref_slice %arg6[%dma_wait3A_447, %dma_wait3A_449, %dma_wait3A_450] : memref<5x128x64xf32, #tpu.memory_space<vmem>> -> memref<1x128x64xf32, #tpu.memory_space<vmem>>
      %dma_wait3A_452 = tpu.memref_squeeze %dma_wait3A_451 : memref<1x128x64xf32, #tpu.memory_space<vmem>> -> memref<128x64xf32, #tpu.memory_space<vmem>>
      %dma_wait3A_453 = arith.constant 0 : i32
      %dma_wait3A_454 = tpu.memref_slice %arg5[%add3A_446, %dma_wait3A_453] : memref<200x128xi32, #tpu.memory_space<vmem>> -> memref<1x128xi32, #tpu.memory_space<vmem>>
      %dma_wait3A_455 = tpu.memref_squeeze %dma_wait3A_454 : memref<1x128xi32, #tpu.memory_space<vmem>> -> memref<128xi32, #tpu.memory_space<vmem>>
      %dma_wait3A_456 = arith.constant 0 : i32
      %dma_wait3A_457 = arith.constant 0 : i32
      %dma_wait3A_458 = tpu.memref_slice %arg3[%dma_wait3A_456, %dma_wait3A_457] : memref<100000x64xf32, #tpu.memory_space<hbm>> -> memref<100000x64xf32, #tpu.memory_space<hbm>>
      %dma_wait3A_459 = tpu.memref_slice %arg8[%dma_wait3A_448] : memref<5x!tpu.dma_semaphore, #tpu.memory_space<semaphore_mem>> -> memref<1x!tpu.dma_semaphore, #tpu.memory_space<semaphore_mem>>
      %dma_wait3A_460 = tpu.memref_squeeze %dma_wait3A_459 : memref<1x!tpu.dma_semaphore, #tpu.memory_space<semaphore_mem>> -> memref<!tpu.dma_semaphore, #tpu.memory_space<semaphore_mem>>
      tpu.wait_indirect_dma semaphore(%dma_wait3A_460 : memref<!tpu.dma_semaphore, #tpu.memory_space<semaphore_mem>>) src(%dma_wait3A_458 : memref<100000x64xf32, #tpu.memory_space<hbm>>) dst(%dma_wait3A_452 : memref<128x64xf32, #tpu.memory_space<vmem>>)
      %gt3A = arith.constant 0 : i32
      %gt3A_461 = arith.cmpi sgt, %add3A_444, %gt3A : i32
      %convert_element_type3A = arith.extui %gt3A_461 : i1 to i32
      %cond3A = arith.constant 0 : i32
      %cond3A_462 = arith.cmpi ne, %convert_element_type3A, %cond3A : i32
      scf.if %cond3A_462 {
        %sub3A = arith.constant 5 : i32
        %sub3A_685 = arith.subi %add3A_446, %sub3A : i32
        %dma_wait3A_686 = arith.constant 0 : i32
        %dma_wait3A_687 = arith.constant 0 : i32
        %dma_wait3A_688 = arith.constant 0 : i32
        %dma_wait3A_689 = arith.constant 0 : i32
        %dma_wait3A_690 = tpu.memref_slice %arg7[%dma_wait3A_686, %dma_wait3A_688, %dma_wait3A_689] : memref<5x8x1024xf32, #tpu.memory_space<vmem>> -> memref<1x8x1024xf32, #tpu.memory_space<vmem>>
        %dma_wait3A_691 = tpu.memref_squeeze %dma_wait3A_690 : memref<1x8x1024xf32, #tpu.memory_space<vmem>> -> memref<8x1024xf32, #tpu.memory_space<vmem>>
        %dma_wait3A_692 = arith.constant 0 : i32
        %dma_wait3A_693 = arith.constant 0 : i32
        %dma_wait3A_694 = tpu.memref_slice %arg4[%sub3A_685, %dma_wait3A_692, %add3A, %dma_wait3A_693] : memref<200x8x32x1024xf32, #tpu.memory_space<hbm>> -> memref<1x8x1x1024xf32, #tpu.memory_space<hbm>>
        %dma_wait3A_695 = tpu.memref_squeeze %dma_wait3A_694 : memref<1x8x1x1024xf32, #tpu.memory_space<hbm>> -> memref<8x1024xf32, #tpu.memory_space<hbm>>
        %dma_wait3A_696 = tpu.memref_slice %arg9[%dma_wait3A_687] : memref<5x!tpu.dma_semaphore, #tpu.memory_space<semaphore_mem>> -> memref<1x!tpu.dma_semaphore, #tpu.memory_space<semaphore_mem>>
        %dma_wait3A_697 = tpu.memref_squeeze %dma_wait3A_696 : memref<1x!tpu.dma_semaphore, #tpu.memory_space<semaphore_mem>> -> memref<!tpu.dma_semaphore, #tpu.memory_space<semaphore_mem>>
        %dma_wait3A_698 = arith.constant 0 : i32
        %dma_wait3A_699 = arith.constant 0 : i32
        %dma_wait3A_700 = tpu.memref_slice %arg4[%sub3A_685, %dma_wait3A_698, %add3A, %dma_wait3A_699] : memref<200x8x32x1024xf32, #tpu.memory_space<hbm>> -> memref<1x8x1x1024xf32, #tpu.memory_space<hbm>>
        %dma_wait3A_701 = tpu.memref_squeeze %dma_wait3A_700 : memref<1x8x1x1024xf32, #tpu.memory_space<hbm>> -> memref<8x1024xf32, #tpu.memory_space<hbm>>
        %dma_wait3A_702 = arith.constant 0 : i32
        %dma_wait3A_703 = arith.constant 0 : i32
        %dma_wait3A_704 = tpu.memref_slice %arg7[%dma_wait3A_686, %dma_wait3A_702, %dma_wait3A_703] : memref<5x8x1024xf32, #tpu.memory_space<vmem>> -> memref<1x8x1024xf32, #tpu.memory_space<vmem>>
        %dma_wait3A_705 = tpu.memref_squeeze %dma_wait3A_704 : memref<1x8x1024xf32, #tpu.memory_space<vmem>> -> memref<8x1024xf32, #tpu.memory_space<vmem>>
        tpu.wait_dma2 semaphore(%dma_wait3A_697 : memref<!tpu.dma_semaphore, #tpu.memory_space<semaphore_mem>>) src(%dma_wait3A_705 : memref<8x1024xf32, #tpu.memory_space<vmem>>) dst(%dma_wait3A_701 : memref<8x1024xf32, #tpu.memory_space<hbm>>)
      } else {
      }
      %parallel_loop3A = arith.constant 0 : i32
      %parallel_loop3A_463 = arith.constant 512 : i32
      %parallel_loop3A_464 = arith.constant 1 : i32
      scf.for %parallel_loop3A_685 = %parallel_loop3A to %parallel_loop3A_463 step %parallel_loop3A_464  : i32 {
        %parallel_loop3A_686 = arith.constant 4 : i32
        %parallel_loop3A_687 = arith.shrsi %parallel_loop3A_685, %parallel_loop3A_686 : i32
        %parallel_loop3A_688 = arith.constant 15 : i32
        %parallel_loop3A_689 = arith.andi %parallel_loop3A_685, %parallel_loop3A_688 : i32
        %parallel_loop3A_690 = arith.constant 2 : i32
        %parallel_loop3A_691 = arith.shrsi %parallel_loop3A_687, %parallel_loop3A_690 : i32
        %parallel_loop3A_692 = arith.constant 3 : i32
        %parallel_loop3A_693 = arith.andi %parallel_loop3A_687, %parallel_loop3A_692 : i32
        %parallel_loop3A_694 = vector.broadcast %parallel_loop3A_689 : i32 to vector<16xi32>
        %parallel_loop3A_695 = arith.addi %iota3A, %parallel_loop3A_694 : vector<16xi32>
        %parallel_loop3A_696 = arith.constant 15 : i32
        %parallel_loop3A_697 = vector.broadcast %parallel_loop3A_696 : i32 to vector<16xi32>
        %parallel_loop3A_698 = arith.andi %parallel_loop3A_695, %parallel_loop3A_697 : vector<16xi32>
        %parallel_loop3A_699 = arith.constant 16 : i32
        %parallel_loop3A_700 = arith.muli %parallel_loop3A_691, %parallel_loop3A_699 : i32
        %parallel_loop3A_701 = vector.broadcast %parallel_loop3A_700 : i32 to vector<16xi32>
        %parallel_loop3A_702 = arith.addi %parallel_loop3A_701, %iota3A : vector<16xi32>
        %parallel_loop3A_703 = arith.constant 16 : i32
        %parallel_loop3A_704 = arith.muli %parallel_loop3A_693, %parallel_loop3A_703 : i32
        %parallel_loop3A_705 = vector.broadcast %parallel_loop3A_704 : i32 to vector<16xi32>
        %parallel_loop3A_706 = arith.addi %parallel_loop3A_705, %parallel_loop3A_698 : vector<16xi32>
        %parallel_loop3A_707 = arith.constant 0 : i32
        %parallel_loop3A_708 = arith.constant 0 : i32
        %parallel_loop3A_709 = arith.constant 0 : i32
        %parallel_loop3A_710 = tpu.memref_slice %arg6[%parallel_loop3A_707, %parallel_loop3A_708, %parallel_loop3A_709] : memref<5x128x64xf32, #tpu.memory_space<vmem>> -> memref<1x128x64xf32, #tpu.memory_space<vmem>>
        %parallel_loop3A_711 = tpu.memref_squeeze %parallel_loop3A_710 : memref<1x128x64xf32, #tpu.memory_space<vmem>> -> memref<128x64xf32, #tpu.memory_space<vmem>>
        %parallel_loop3A_712 = tpu.vector_load_idx %parallel_loop3A_711[%parallel_loop3A_702, %parallel_loop3A_706] : memref<128x64xf32, #tpu.memory_space<vmem>>[vector<16xi32>, vector<16xi32>], vector<16xf32>,
        %parallel_loop3A_713 = arith.constant 7 : i32
        %parallel_loop3A_714 = vector.broadcast %parallel_loop3A_713 : i32 to vector<16xi32>
        %parallel_loop3A_715 = arith.andi %parallel_loop3A_698, %parallel_loop3A_714 : vector<16xi32>
        %parallel_loop3A_716 = arith.constant 128 : i32
        %parallel_loop3A_717 = vector.broadcast %parallel_loop3A_716 : i32 to vector<16xi32>
        %parallel_loop3A_718 = arith.muli %parallel_loop3A_715, %parallel_loop3A_717 : vector<16xi32>
        %parallel_loop3A_719 = arith.addi %parallel_loop3A_718, %parallel_loop3A_702 : vector<16xi32>
        %parallel_loop3A_720 = arith.constant 2 : i32
        %parallel_loop3A_721 = arith.muli %parallel_loop3A_693, %parallel_loop3A_720 : i32
        %parallel_loop3A_722 = arith.constant 3 : i32
        %parallel_loop3A_723 = vector.broadcast %parallel_loop3A_722 : i32 to vector<16xi32>
        %parallel_loop3A_724 = arith.shrsi %parallel_loop3A_698, %parallel_loop3A_723 : vector<16xi32>
        %parallel_loop3A_725 = vector.broadcast %parallel_loop3A_721 : i32 to vector<16xi32>
        %parallel_loop3A_726 = arith.addi %parallel_loop3A_725, %parallel_loop3A_724 : vector<16xi32>
        %parallel_loop3A_727 = arith.constant 0 : i32
        %parallel_loop3A_728 = arith.constant 0 : i32
        %parallel_loop3A_729 = arith.constant 0 : i32
        %parallel_loop3A_730 = tpu.memref_slice %arg7[%parallel_loop3A_727, %parallel_loop3A_728, %parallel_loop3A_729] : memref<5x8x1024xf32, #tpu.memory_space<vmem>> -> memref<1x8x1024xf32, #tpu.memory_space<vmem>>
        %parallel_loop3A_731 = tpu.memref_squeeze %parallel_loop3A_730 : memref<1x8x1024xf32, #tpu.memory_space<vmem>> -> memref<8x1024xf32, #tpu.memory_space<vmem>>
        tpu.vector_store_idx %parallel_loop3A_731[%parallel_loop3A_726, %parallel_loop3A_719], %parallel_loop3A_712 : memref<8x1024xf32, #tpu.memory_space<vmem>>[vector<16xi32>, vector<16xi32>], vector<16xf32>,
      } {sc.loop_unroll_factor = 32 : i64, sc.parallel_access}
      %dma_start3A_465 = arith.constant 0 : i32
      %dma_start3A_466 = arith.constant 0 : i32
      %dma_start3A_467 = arith.constant 0 : i32
      %dma_start3A_468 = arith.constant 0 : i32
      %dma_start3A_469 = tpu.memref_slice %arg7[%dma_start3A_465, %dma_start3A_467, %dma_start3A_468] : memref<5x8x1024xf32, #tpu.memory_space<vmem>> -> memref<1x8x1024xf32, #tpu.memory_space<vmem>>
      %dma_start3A_470 = tpu.memref_squeeze %dma_start3A_469 : memref<1x8x1024xf32, #tpu.memory_space<vmem>> -> memref<8x1024xf32, #tpu.memory_space<vmem>>
      %dma_start3A_471 = arith.constant 0 : i32
      %dma_start3A_472 = arith.constant 0 : i32
      %dma_start3A_473 = tpu.memref_slice %arg4[%add3A_446, %dma_start3A_471, %add3A, %dma_start3A_472] : memref<200x8x32x1024xf32, #tpu.memory_space<hbm>> -> memref<1x8x1x1024xf32, #tpu.memory_space<hbm>>
      %dma_start3A_474 = tpu.memref_squeeze %dma_start3A_473 : memref<1x8x1x1024xf32, #tpu.memory_space<hbm>> -> memref<8x1024xf32, #tpu.memory_space<hbm>>
      %dma_start3A_475 = tpu.memref_slice %arg9[%dma_start3A_466] : memref<5x!tpu.dma_semaphore, #tpu.memory_space<semaphore_mem>> -> memref<1x!tpu.dma_semaphore, #tpu.memory_space<semaphore_mem>>
      %dma_start3A_476 = tpu.memref_squeeze %dma_start3A_475 : memref<1x!tpu.dma_semaphore, #tpu.memory_space<semaphore_mem>> -> memref<!tpu.dma_semaphore, #tpu.memory_space<semaphore_mem>>
      %dma_start3A_477 = arith.constant 0 : i32
      %dma_start3A_478 = arith.constant 0 : i32
      %dma_start3A_479 = tpu.memref_slice %arg4[%add3A_446, %dma_start3A_477, %add3A, %dma_start3A_478] : memref<200x8x32x1024xf32, #tpu.memory_space<hbm>> -> memref<1x8x1x1024xf32, #tpu.memory_space<hbm>>
      %dma_start3A_480 = tpu.memref_squeeze %dma_start3A_479 : memref<1x8x1x1024xf32, #tpu.memory_space<hbm>> -> memref<8x1024xf32, #tpu.memory_space<hbm>>
      %dma_start3A_481 = arith.constant 0 : i32
      %dma_start3A_482 = arith.constant 0 : i32
      %dma_start3A_483 = tpu.memref_slice %arg7[%dma_start3A_465, %dma_start3A_481, %dma_start3A_482] : memref<5x8x1024xf32, #tpu.memory_space<vmem>> -> memref<1x8x1024xf32, #tpu.memory_space<vmem>>
      %dma_start3A_484 = tpu.memref_squeeze %dma_start3A_483 : memref<1x8x1024xf32, #tpu.memory_space<vmem>> -> memref<8x1024xf32, #tpu.memory_space<vmem>>
      tpu.enqueue_dma source(%dma_start3A_484 : memref<8x1024xf32, #tpu.memory_space<vmem>>) target(%dma_start3A_480 : memref<8x1024xf32, #tpu.memory_space<hbm>>) target_semaphore(%dma_start3A_476 : memref<!tpu.dma_semaphore, #tpu.memory_space<semaphore_mem>>)
      %lt3A = arith.constant 195 : i32
      %lt3A_485 = arith.cmpi slt, %add3A_444, %lt3A : i32
      %convert_element_type3A_486 = arith.extui %lt3A_485 : i1 to i32
      %cond3A_487 = arith.constant 0 : i32
      %cond3A_488 = arith.cmpi ne, %convert_element_type3A_486, %cond3A_487 : i32
      scf.if %cond3A_488 {
        %add3A_685 = arith.constant 5 : i32
        %add3A_686 = arith.addi %add3A_446, %add3A_685 : i32
        %dma_start3A_687 = arith.constant 0 : i32
        %dma_start3A_688 = arith.constant 0 : i32
        %dma_start3A_689 = arith.constant 0 : i32
        %dma_start3A_690 = arith.constant 0 : i32
        %dma_start3A_691 = tpu.memref_slice %arg6[%dma_start3A_687, %dma_start3A_689, %dma_start3A_690] : memref<5x128x64xf32, #tpu.memory_space<vmem>> -> memref<1x128x64xf32, #tpu.memory_space<vmem>>
        %dma_start3A_692 = tpu.memref_squeeze %dma_start3A_691 : memref<1x128x64xf32, #tpu.memory_space<vmem>> -> memref<128x64xf32, #tpu.memory_space<vmem>>
        %dma_start3A_693 = arith.constant 0 : i32
        %dma_start3A_694 = tpu.memref_slice %arg5[%add3A_686, %dma_start3A_693] : memref<200x128xi32, #tpu.memory_space<vmem>> -> memref<1x128xi32, #tpu.memory_space<vmem>>
        %dma_start3A_695 = tpu.memref_squeeze %dma_start3A_694 : memref<1x128xi32, #tpu.memory_space<vmem>> -> memref<128xi32, #tpu.memory_space<vmem>>
        %dma_start3A_696 = arith.constant 0 : i32
        %dma_start3A_697 = arith.constant 0 : i32
        %dma_start3A_698 = tpu.memref_slice %arg3[%dma_start3A_696, %dma_start3A_697] : memref<100000x64xf32, #tpu.memory_space<hbm>> -> memref<100000x64xf32, #tpu.memory_space<hbm>>
        %dma_start3A_699 = tpu.memref_slice %arg8[%dma_start3A_688] : memref<5x!tpu.dma_semaphore, #tpu.memory_space<semaphore_mem>> -> memref<1x!tpu.dma_semaphore, #tpu.memory_space<semaphore_mem>>
        %dma_start3A_700 = tpu.memref_squeeze %dma_start3A_699 : memref<1x!tpu.dma_semaphore, #tpu.memory_space<semaphore_mem>> -> memref<!tpu.dma_semaphore, #tpu.memory_space<semaphore_mem>>
        tpu.enqueue_indirect_dma source(%dma_start3A_698 : memref<100000x64xf32, #tpu.memory_space<hbm>>) target(%dma_start3A_692 : memref<128x64xf32, #tpu.memory_space<vmem>>) offsets(%dma_start3A_695 : memref<128xi32, #tpu.memory_space<vmem>>) semaphore(%dma_start3A_700 : memref<!tpu.dma_semaphore, #tpu.memory_space<semaphore_mem>>)
      } else {
      }
      %add3A_489 = arith.constant 1 : i32
      %add3A_490 = arith.addi %add3A_444, %add3A_489 : i32
      %dma_wait3A_491 = arith.constant 1 : i32
      %dma_wait3A_492 = arith.constant 1 : i32
      %dma_wait3A_493 = arith.constant 0 : i32
      %dma_wait3A_494 = arith.constant 0 : i32
      %dma_wait3A_495 = tpu.memref_slice %arg6[%dma_wait3A_491, %dma_wait3A_493, %dma_wait3A_494] : memref<5x128x64xf32, #tpu.memory_space<vmem>> -> memref<1x128x64xf32, #tpu.memory_space<vmem>>
      %dma_wait3A_496 = tpu.memref_squeeze %dma_wait3A_495 : memref<1x128x64xf32, #tpu.memory_space<vmem>> -> memref<128x64xf32, #tpu.memory_space<vmem>>
      %dma_wait3A_497 = arith.constant 0 : i32
      %dma_wait3A_498 = tpu.memref_slice %arg5[%add3A_490, %dma_wait3A_497] : memref<200x128xi32, #tpu.memory_space<vmem>> -> memref<1x128xi32, #tpu.memory_space<vmem>>
      %dma_wait3A_499 = tpu.memref_squeeze %dma_wait3A_498 : memref<1x128xi32, #tpu.memory_space<vmem>> -> memref<128xi32, #tpu.memory_space<vmem>>
      %dma_wait3A_500 = arith.constant 0 : i32
      %dma_wait3A_501 = arith.constant 0 : i32
      %dma_wait3A_502 = tpu.memref_slice %arg3[%dma_wait3A_500, %dma_wait3A_501] : memref<100000x64xf32, #tpu.memory_space<hbm>> -> memref<100000x64xf32, #tpu.memory_space<hbm>>
      %dma_wait3A_503 = tpu.memref_slice %arg8[%dma_wait3A_492] : memref<5x!tpu.dma_semaphore, #tpu.memory_space<semaphore_mem>> -> memref<1x!tpu.dma_semaphore, #tpu.memory_space<semaphore_mem>>
      %dma_wait3A_504 = tpu.memref_squeeze %dma_wait3A_503 : memref<1x!tpu.dma_semaphore, #tpu.memory_space<semaphore_mem>> -> memref<!tpu.dma_semaphore, #tpu.memory_space<semaphore_mem>>
      tpu.wait_indirect_dma semaphore(%dma_wait3A_504 : memref<!tpu.dma_semaphore, #tpu.memory_space<semaphore_mem>>) src(%dma_wait3A_502 : memref<100000x64xf32, #tpu.memory_space<hbm>>) dst(%dma_wait3A_496 : memref<128x64xf32, #tpu.memory_space<vmem>>)
      %gt3A_505 = arith.constant 0 : i32
      %gt3A_506 = arith.cmpi sgt, %add3A_444, %gt3A_505 : i32
      %convert_element_type3A_507 = arith.extui %gt3A_506 : i1 to i32
      %cond3A_508 = arith.constant 0 : i32
      %cond3A_509 = arith.cmpi ne, %convert_element_type3A_507, %cond3A_508 : i32
      scf.if %cond3A_509 {
        %sub3A = arith.constant 5 : i32
        %sub3A_685 = arith.subi %add3A_490, %sub3A : i32
        %dma_wait3A_686 = arith.constant 1 : i32
        %dma_wait3A_687 = arith.constant 1 : i32
        %dma_wait3A_688 = arith.constant 0 : i32
        %dma_wait3A_689 = arith.constant 0 : i32
        %dma_wait3A_690 = tpu.memref_slice %arg7[%dma_wait3A_686, %dma_wait3A_688, %dma_wait3A_689] : memref<5x8x1024xf32, #tpu.memory_space<vmem>> -> memref<1x8x1024xf32, #tpu.memory_space<vmem>>
        %dma_wait3A_691 = tpu.memref_squeeze %dma_wait3A_690 : memref<1x8x1024xf32, #tpu.memory_space<vmem>> -> memref<8x1024xf32, #tpu.memory_space<vmem>>
        %dma_wait3A_692 = arith.constant 0 : i32
        %dma_wait3A_693 = arith.constant 0 : i32
        %dma_wait3A_694 = tpu.memref_slice %arg4[%sub3A_685, %dma_wait3A_692, %add3A, %dma_wait3A_693] : memref<200x8x32x1024xf32, #tpu.memory_space<hbm>> -> memref<1x8x1x1024xf32, #tpu.memory_space<hbm>>
        %dma_wait3A_695 = tpu.memref_squeeze %dma_wait3A_694 : memref<1x8x1x1024xf32, #tpu.memory_space<hbm>> -> memref<8x1024xf32, #tpu.memory_space<hbm>>
        %dma_wait3A_696 = tpu.memref_slice %arg9[%dma_wait3A_687] : memref<5x!tpu.dma_semaphore, #tpu.memory_space<semaphore_mem>> -> memref<1x!tpu.dma_semaphore, #tpu.memory_space<semaphore_mem>>
        %dma_wait3A_697 = tpu.memref_squeeze %dma_wait3A_696 : memref<1x!tpu.dma_semaphore, #tpu.memory_space<semaphore_mem>> -> memref<!tpu.dma_semaphore, #tpu.memory_space<semaphore_mem>>
        %dma_wait3A_698 = arith.constant 0 : i32
        %dma_wait3A_699 = arith.constant 0 : i32
        %dma_wait3A_700 = tpu.memref_slice %arg4[%sub3A_685, %dma_wait3A_698, %add3A, %dma_wait3A_699] : memref<200x8x32x1024xf32, #tpu.memory_space<hbm>> -> memref<1x8x1x1024xf32, #tpu.memory_space<hbm>>
        %dma_wait3A_701 = tpu.memref_squeeze %dma_wait3A_700 : memref<1x8x1x1024xf32, #tpu.memory_space<hbm>> -> memref<8x1024xf32, #tpu.memory_space<hbm>>
        %dma_wait3A_702 = arith.constant 0 : i32
        %dma_wait3A_703 = arith.constant 0 : i32
        %dma_wait3A_704 = tpu.memref_slice %arg7[%dma_wait3A_686, %dma_wait3A_702, %dma_wait3A_703] : memref<5x8x1024xf32, #tpu.memory_space<vmem>> -> memref<1x8x1024xf32, #tpu.memory_space<vmem>>
        %dma_wait3A_705 = tpu.memref_squeeze %dma_wait3A_704 : memref<1x8x1024xf32, #tpu.memory_space<vmem>> -> memref<8x1024xf32, #tpu.memory_space<vmem>>
        tpu.wait_dma2 semaphore(%dma_wait3A_697 : memref<!tpu.dma_semaphore, #tpu.memory_space<semaphore_mem>>) src(%dma_wait3A_705 : memref<8x1024xf32, #tpu.memory_space<vmem>>) dst(%dma_wait3A_701 : memref<8x1024xf32, #tpu.memory_space<hbm>>)
      } else {
      }
      %parallel_loop3A_510 = arith.constant 0 : i32
      %parallel_loop3A_511 = arith.constant 512 : i32
      %parallel_loop3A_512 = arith.constant 1 : i32
      scf.for %parallel_loop3A_685 = %parallel_loop3A_510 to %parallel_loop3A_511 step %parallel_loop3A_512  : i32 {
        %parallel_loop3A_686 = arith.constant 4 : i32
        %parallel_loop3A_687 = arith.shrsi %parallel_loop3A_685, %parallel_loop3A_686 : i32
        %parallel_loop3A_688 = arith.constant 15 : i32
        %parallel_loop3A_689 = arith.andi %parallel_loop3A_685, %parallel_loop3A_688 : i32
        %parallel_loop3A_690 = arith.constant 2 : i32
        %parallel_loop3A_691 = arith.shrsi %parallel_loop3A_687, %parallel_loop3A_690 : i32
        %parallel_loop3A_692 = arith.constant 3 : i32
        %parallel_loop3A_693 = arith.andi %parallel_loop3A_687, %parallel_loop3A_692 : i32
        %parallel_loop3A_694 = vector.broadcast %parallel_loop3A_689 : i32 to vector<16xi32>
        %parallel_loop3A_695 = arith.addi %iota3A, %parallel_loop3A_694 : vector<16xi32>
        %parallel_loop3A_696 = arith.constant 15 : i32
        %parallel_loop3A_697 = vector.broadcast %parallel_loop3A_696 : i32 to vector<16xi32>
        %parallel_loop3A_698 = arith.andi %parallel_loop3A_695, %parallel_loop3A_697 : vector<16xi32>
        %parallel_loop3A_699 = arith.constant 16 : i32
        %parallel_loop3A_700 = arith.muli %parallel_loop3A_691, %parallel_loop3A_699 : i32
        %parallel_loop3A_701 = vector.broadcast %parallel_loop3A_700 : i32 to vector<16xi32>
        %parallel_loop3A_702 = arith.addi %parallel_loop3A_701, %iota3A : vector<16xi32>
        %parallel_loop3A_703 = arith.constant 16 : i32
        %parallel_loop3A_704 = arith.muli %parallel_loop3A_693, %parallel_loop3A_703 : i32
        %parallel_loop3A_705 = vector.broadcast %parallel_loop3A_704 : i32 to vector<16xi32>
        %parallel_loop3A_706 = arith.addi %parallel_loop3A_705, %parallel_loop3A_698 : vector<16xi32>
        %parallel_loop3A_707 = arith.constant 1 : i32
        %parallel_loop3A_708 = arith.constant 0 : i32
        %parallel_loop3A_709 = arith.constant 0 : i32
        %parallel_loop3A_710 = tpu.memref_slice %arg6[%parallel_loop3A_707, %parallel_loop3A_708, %parallel_loop3A_709] : memref<5x128x64xf32, #tpu.memory_space<vmem>> -> memref<1x128x64xf32, #tpu.memory_space<vmem>>
        %parallel_loop3A_711 = tpu.memref_squeeze %parallel_loop3A_710 : memref<1x128x64xf32, #tpu.memory_space<vmem>> -> memref<128x64xf32, #tpu.memory_space<vmem>>
        %parallel_loop3A_712 = tpu.vector_load_idx %parallel_loop3A_711[%parallel_loop3A_702, %parallel_loop3A_706] : memref<128x64xf32, #tpu.memory_space<vmem>>[vector<16xi32>, vector<16xi32>], vector<16xf32>,
        %parallel_loop3A_713 = arith.constant 7 : i32
        %parallel_loop3A_714 = vector.broadcast %parallel_loop3A_713 : i32 to vector<16xi32>
        %parallel_loop3A_715 = arith.andi %parallel_loop3A_698, %parallel_loop3A_714 : vector<16xi32>
        %parallel_loop3A_716 = arith.constant 128 : i32
        %parallel_loop3A_717 = vector.broadcast %parallel_loop3A_716 : i32 to vector<16xi32>
        %parallel_loop3A_718 = arith.muli %parallel_loop3A_715, %parallel_loop3A_717 : vector<16xi32>
        %parallel_loop3A_719 = arith.addi %parallel_loop3A_718, %parallel_loop3A_702 : vector<16xi32>
        %parallel_loop3A_720 = arith.constant 2 : i32
        %parallel_loop3A_721 = arith.muli %parallel_loop3A_693, %parallel_loop3A_720 : i32
        %parallel_loop3A_722 = arith.constant 3 : i32
        %parallel_loop3A_723 = vector.broadcast %parallel_loop3A_722 : i32 to vector<16xi32>
        %parallel_loop3A_724 = arith.shrsi %parallel_loop3A_698, %parallel_loop3A_723 : vector<16xi32>
        %parallel_loop3A_725 = vector.broadcast %parallel_loop3A_721 : i32 to vector<16xi32>
        %parallel_loop3A_726 = arith.addi %parallel_loop3A_725, %parallel_loop3A_724 : vector<16xi32>
        %parallel_loop3A_727 = arith.constant 1 : i32
        %parallel_loop3A_728 = arith.constant 0 : i32
        %parallel_loop3A_729 = arith.constant 0 : i32
        %parallel_loop3A_730 = tpu.memref_slice %arg7[%parallel_loop3A_727, %parallel_loop3A_728, %parallel_loop3A_729] : memref<5x8x1024xf32, #tpu.memory_space<vmem>> -> memref<1x8x1024xf32, #tpu.memory_space<vmem>>
        %parallel_loop3A_731 = tpu.memref_squeeze %parallel_loop3A_730 : memref<1x8x1024xf32, #tpu.memory_space<vmem>> -> memref<8x1024xf32, #tpu.memory_space<vmem>>
        tpu.vector_store_idx %parallel_loop3A_731[%parallel_loop3A_726, %parallel_loop3A_719], %parallel_loop3A_712 : memref<8x1024xf32, #tpu.memory_space<vmem>>[vector<16xi32>, vector<16xi32>], vector<16xf32>,
      } {sc.loop_unroll_factor = 32 : i64, sc.parallel_access}
      %dma_start3A_513 = arith.constant 1 : i32
      %dma_start3A_514 = arith.constant 1 : i32
      %dma_start3A_515 = arith.constant 0 : i32
      %dma_start3A_516 = arith.constant 0 : i32
      %dma_start3A_517 = tpu.memref_slice %arg7[%dma_start3A_513, %dma_start3A_515, %dma_start3A_516] : memref<5x8x1024xf32, #tpu.memory_space<vmem>> -> memref<1x8x1024xf32, #tpu.memory_space<vmem>>
      %dma_start3A_518 = tpu.memref_squeeze %dma_start3A_517 : memref<1x8x1024xf32, #tpu.memory_space<vmem>> -> memref<8x1024xf32, #tpu.memory_space<vmem>>
      %dma_start3A_519 = arith.constant 0 : i32
      %dma_start3A_520 = arith.constant 0 : i32
      %dma_start3A_521 = tpu.memref_slice %arg4[%add3A_490, %dma_start3A_519, %add3A, %dma_start3A_520] : memref<200x8x32x1024xf32, #tpu.memory_space<hbm>> -> memref<1x8x1x1024xf32, #tpu.memory_space<hbm>>
      %dma_start3A_522 = tpu.memref_squeeze %dma_start3A_521 : memref<1x8x1x1024xf32, #tpu.memory_space<hbm>> -> memref<8x1024xf32, #tpu.memory_space<hbm>>
      %dma_start3A_523 = tpu.memref_slice %arg9[%dma_start3A_514] : memref<5x!tpu.dma_semaphore, #tpu.memory_space<semaphore_mem>> -> memref<1x!tpu.dma_semaphore, #tpu.memory_space<semaphore_mem>>
      %dma_start3A_524 = tpu.memref_squeeze %dma_start3A_523 : memref<1x!tpu.dma_semaphore, #tpu.memory_space<semaphore_mem>> -> memref<!tpu.dma_semaphore, #tpu.memory_space<semaphore_mem>>
      %dma_start3A_525 = arith.constant 0 : i32
      %dma_start3A_526 = arith.constant 0 : i32
      %dma_start3A_527 = tpu.memref_slice %arg4[%add3A_490, %dma_start3A_525, %add3A, %dma_start3A_526] : memref<200x8x32x1024xf32, #tpu.memory_space<hbm>> -> memref<1x8x1x1024xf32, #tpu.memory_space<hbm>>
      %dma_start3A_528 = tpu.memref_squeeze %dma_start3A_527 : memref<1x8x1x1024xf32, #tpu.memory_space<hbm>> -> memref<8x1024xf32, #tpu.memory_space<hbm>>
      %dma_start3A_529 = arith.constant 0 : i32
      %dma_start3A_530 = arith.constant 0 : i32
      %dma_start3A_531 = tpu.memref_slice %arg7[%dma_start3A_513, %dma_start3A_529, %dma_start3A_530] : memref<5x8x1024xf32, #tpu.memory_space<vmem>> -> memref<1x8x1024xf32, #tpu.memory_space<vmem>>
      %dma_start3A_532 = tpu.memref_squeeze %dma_start3A_531 : memref<1x8x1024xf32, #tpu.memory_space<vmem>> -> memref<8x1024xf32, #tpu.memory_space<vmem>>
      tpu.enqueue_dma source(%dma_start3A_532 : memref<8x1024xf32, #tpu.memory_space<vmem>>) target(%dma_start3A_528 : memref<8x1024xf32, #tpu.memory_space<hbm>>) target_semaphore(%dma_start3A_524 : memref<!tpu.dma_semaphore, #tpu.memory_space<semaphore_mem>>)
      %lt3A_533 = arith.constant 195 : i32
      %lt3A_534 = arith.cmpi slt, %add3A_444, %lt3A_533 : i32
      %convert_element_type3A_535 = arith.extui %lt3A_534 : i1 to i32
      %cond3A_536 = arith.constant 0 : i32
      %cond3A_537 = arith.cmpi ne, %convert_element_type3A_535, %cond3A_536 : i32
      scf.if %cond3A_537 {
        %add3A_685 = arith.constant 5 : i32
        %add3A_686 = arith.addi %add3A_490, %add3A_685 : i32
        %dma_start3A_687 = arith.constant 1 : i32
        %dma_start3A_688 = arith.constant 1 : i32
        %dma_start3A_689 = arith.constant 0 : i32
        %dma_start3A_690 = arith.constant 0 : i32
        %dma_start3A_691 = tpu.memref_slice %arg6[%dma_start3A_687, %dma_start3A_689, %dma_start3A_690] : memref<5x128x64xf32, #tpu.memory_space<vmem>> -> memref<1x128x64xf32, #tpu.memory_space<vmem>>
        %dma_start3A_692 = tpu.memref_squeeze %dma_start3A_691 : memref<1x128x64xf32, #tpu.memory_space<vmem>> -> memref<128x64xf32, #tpu.memory_space<vmem>>
        %dma_start3A_693 = arith.constant 0 : i32
        %dma_start3A_694 = tpu.memref_slice %arg5[%add3A_686, %dma_start3A_693] : memref<200x128xi32, #tpu.memory_space<vmem>> -> memref<1x128xi32, #tpu.memory_space<vmem>>
        %dma_start3A_695 = tpu.memref_squeeze %dma_start3A_694 : memref<1x128xi32, #tpu.memory_space<vmem>> -> memref<128xi32, #tpu.memory_space<vmem>>
        %dma_start3A_696 = arith.constant 0 : i32
        %dma_start3A_697 = arith.constant 0 : i32
        %dma_start3A_698 = tpu.memref_slice %arg3[%dma_start3A_696, %dma_start3A_697] : memref<100000x64xf32, #tpu.memory_space<hbm>> -> memref<100000x64xf32, #tpu.memory_space<hbm>>
        %dma_start3A_699 = tpu.memref_slice %arg8[%dma_start3A_688] : memref<5x!tpu.dma_semaphore, #tpu.memory_space<semaphore_mem>> -> memref<1x!tpu.dma_semaphore, #tpu.memory_space<semaphore_mem>>
        %dma_start3A_700 = tpu.memref_squeeze %dma_start3A_699 : memref<1x!tpu.dma_semaphore, #tpu.memory_space<semaphore_mem>> -> memref<!tpu.dma_semaphore, #tpu.memory_space<semaphore_mem>>
        tpu.enqueue_indirect_dma source(%dma_start3A_698 : memref<100000x64xf32, #tpu.memory_space<hbm>>) target(%dma_start3A_692 : memref<128x64xf32, #tpu.memory_space<vmem>>) offsets(%dma_start3A_695 : memref<128xi32, #tpu.memory_space<vmem>>) semaphore(%dma_start3A_700 : memref<!tpu.dma_semaphore, #tpu.memory_space<semaphore_mem>>)
      } else {
      }
      %add3A_538 = arith.constant 2 : i32
      %add3A_539 = arith.addi %add3A_444, %add3A_538 : i32
      %dma_wait3A_540 = arith.constant 2 : i32
      %dma_wait3A_541 = arith.constant 2 : i32
      %dma_wait3A_542 = arith.constant 0 : i32
      %dma_wait3A_543 = arith.constant 0 : i32
      %dma_wait3A_544 = tpu.memref_slice %arg6[%dma_wait3A_540, %dma_wait3A_542, %dma_wait3A_543] : memref<5x128x64xf32, #tpu.memory_space<vmem>> -> memref<1x128x64xf32, #tpu.memory_space<vmem>>
      %dma_wait3A_545 = tpu.memref_squeeze %dma_wait3A_544 : memref<1x128x64xf32, #tpu.memory_space<vmem>> -> memref<128x64xf32, #tpu.memory_space<vmem>>
      %dma_wait3A_546 = arith.constant 0 : i32
      %dma_wait3A_547 = tpu.memref_slice %arg5[%add3A_539, %dma_wait3A_546] : memref<200x128xi32, #tpu.memory_space<vmem>> -> memref<1x128xi32, #tpu.memory_space<vmem>>
      %dma_wait3A_548 = tpu.memref_squeeze %dma_wait3A_547 : memref<1x128xi32, #tpu.memory_space<vmem>> -> memref<128xi32, #tpu.memory_space<vmem>>
      %dma_wait3A_549 = arith.constant 0 : i32
      %dma_wait3A_550 = arith.constant 0 : i32
      %dma_wait3A_551 = tpu.memref_slice %arg3[%dma_wait3A_549, %dma_wait3A_550] : memref<100000x64xf32, #tpu.memory_space<hbm>> -> memref<100000x64xf32, #tpu.memory_space<hbm>>
      %dma_wait3A_552 = tpu.memref_slice %arg8[%dma_wait3A_541] : memref<5x!tpu.dma_semaphore, #tpu.memory_space<semaphore_mem>> -> memref<1x!tpu.dma_semaphore, #tpu.memory_space<semaphore_mem>>
      %dma_wait3A_553 = tpu.memref_squeeze %dma_wait3A_552 : memref<1x!tpu.dma_semaphore, #tpu.memory_space<semaphore_mem>> -> memref<!tpu.dma_semaphore, #tpu.memory_space<semaphore_mem>>
      tpu.wait_indirect_dma semaphore(%dma_wait3A_553 : memref<!tpu.dma_semaphore, #tpu.memory_space<semaphore_mem>>) src(%dma_wait3A_551 : memref<100000x64xf32, #tpu.memory_space<hbm>>) dst(%dma_wait3A_545 : memref<128x64xf32, #tpu.memory_space<vmem>>)
      %gt3A_554 = arith.constant 0 : i32
      %gt3A_555 = arith.cmpi sgt, %add3A_444, %gt3A_554 : i32
      %convert_element_type3A_556 = arith.extui %gt3A_555 : i1 to i32
      %cond3A_557 = arith.constant 0 : i32
      %cond3A_558 = arith.cmpi ne, %convert_element_type3A_556, %cond3A_557 : i32
      scf.if %cond3A_558 {
        %sub3A = arith.constant 5 : i32
        %sub3A_685 = arith.subi %add3A_539, %sub3A : i32
        %dma_wait3A_686 = arith.constant 2 : i32
        %dma_wait3A_687 = arith.constant 2 : i32
        %dma_wait3A_688 = arith.constant 0 : i32
        %dma_wait3A_689 = arith.constant 0 : i32
        %dma_wait3A_690 = tpu.memref_slice %arg7[%dma_wait3A_686, %dma_wait3A_688, %dma_wait3A_689] : memref<5x8x1024xf32, #tpu.memory_space<vmem>> -> memref<1x8x1024xf32, #tpu.memory_space<vmem>>
        %dma_wait3A_691 = tpu.memref_squeeze %dma_wait3A_690 : memref<1x8x1024xf32, #tpu.memory_space<vmem>> -> memref<8x1024xf32, #tpu.memory_space<vmem>>
        %dma_wait3A_692 = arith.constant 0 : i32
        %dma_wait3A_693 = arith.constant 0 : i32
        %dma_wait3A_694 = tpu.memref_slice %arg4[%sub3A_685, %dma_wait3A_692, %add3A, %dma_wait3A_693] : memref<200x8x32x1024xf32, #tpu.memory_space<hbm>> -> memref<1x8x1x1024xf32, #tpu.memory_space<hbm>>
        %dma_wait3A_695 = tpu.memref_squeeze %dma_wait3A_694 : memref<1x8x1x1024xf32, #tpu.memory_space<hbm>> -> memref<8x1024xf32, #tpu.memory_space<hbm>>
        %dma_wait3A_696 = tpu.memref_slice %arg9[%dma_wait3A_687] : memref<5x!tpu.dma_semaphore, #tpu.memory_space<semaphore_mem>> -> memref<1x!tpu.dma_semaphore, #tpu.memory_space<semaphore_mem>>
        %dma_wait3A_697 = tpu.memref_squeeze %dma_wait3A_696 : memref<1x!tpu.dma_semaphore, #tpu.memory_space<semaphore_mem>> -> memref<!tpu.dma_semaphore, #tpu.memory_space<semaphore_mem>>
        %dma_wait3A_698 = arith.constant 0 : i32
        %dma_wait3A_699 = arith.constant 0 : i32
        %dma_wait3A_700 = tpu.memref_slice %arg4[%sub3A_685, %dma_wait3A_698, %add3A, %dma_wait3A_699] : memref<200x8x32x1024xf32, #tpu.memory_space<hbm>> -> memref<1x8x1x1024xf32, #tpu.memory_space<hbm>>
        %dma_wait3A_701 = tpu.memref_squeeze %dma_wait3A_700 : memref<1x8x1x1024xf32, #tpu.memory_space<hbm>> -> memref<8x1024xf32, #tpu.memory_space<hbm>>
        %dma_wait3A_702 = arith.constant 0 : i32
        %dma_wait3A_703 = arith.constant 0 : i32
        %dma_wait3A_704 = tpu.memref_slice %arg7[%dma_wait3A_686, %dma_wait3A_702, %dma_wait3A_703] : memref<5x8x1024xf32, #tpu.memory_space<vmem>> -> memref<1x8x1024xf32, #tpu.memory_space<vmem>>
        %dma_wait3A_705 = tpu.memref_squeeze %dma_wait3A_704 : memref<1x8x1024xf32, #tpu.memory_space<vmem>> -> memref<8x1024xf32, #tpu.memory_space<vmem>>
        tpu.wait_dma2 semaphore(%dma_wait3A_697 : memref<!tpu.dma_semaphore, #tpu.memory_space<semaphore_mem>>) src(%dma_wait3A_705 : memref<8x1024xf32, #tpu.memory_space<vmem>>) dst(%dma_wait3A_701 : memref<8x1024xf32, #tpu.memory_space<hbm>>)
      } else {
      }
      %parallel_loop3A_559 = arith.constant 0 : i32
      %parallel_loop3A_560 = arith.constant 512 : i32
      %parallel_loop3A_561 = arith.constant 1 : i32
      scf.for %parallel_loop3A_685 = %parallel_loop3A_559 to %parallel_loop3A_560 step %parallel_loop3A_561  : i32 {
        %parallel_loop3A_686 = arith.constant 4 : i32
        %parallel_loop3A_687 = arith.shrsi %parallel_loop3A_685, %parallel_loop3A_686 : i32
        %parallel_loop3A_688 = arith.constant 15 : i32
        %parallel_loop3A_689 = arith.andi %parallel_loop3A_685, %parallel_loop3A_688 : i32
        %parallel_loop3A_690 = arith.constant 2 : i32
        %parallel_loop3A_691 = arith.shrsi %parallel_loop3A_687, %parallel_loop3A_690 : i32
        %parallel_loop3A_692 = arith.constant 3 : i32
        %parallel_loop3A_693 = arith.andi %parallel_loop3A_687, %parallel_loop3A_692 : i32
        %parallel_loop3A_694 = vector.broadcast %parallel_loop3A_689 : i32 to vector<16xi32>
        %parallel_loop3A_695 = arith.addi %iota3A, %parallel_loop3A_694 : vector<16xi32>
        %parallel_loop3A_696 = arith.constant 15 : i32
        %parallel_loop3A_697 = vector.broadcast %parallel_loop3A_696 : i32 to vector<16xi32>
        %parallel_loop3A_698 = arith.andi %parallel_loop3A_695, %parallel_loop3A_697 : vector<16xi32>
        %parallel_loop3A_699 = arith.constant 16 : i32
        %parallel_loop3A_700 = arith.muli %parallel_loop3A_691, %parallel_loop3A_699 : i32
        %parallel_loop3A_701 = vector.broadcast %parallel_loop3A_700 : i32 to vector<16xi32>
        %parallel_loop3A_702 = arith.addi %parallel_loop3A_701, %iota3A : vector<16xi32>
        %parallel_loop3A_703 = arith.constant 16 : i32
        %parallel_loop3A_704 = arith.muli %parallel_loop3A_693, %parallel_loop3A_703 : i32
        %parallel_loop3A_705 = vector.broadcast %parallel_loop3A_704 : i32 to vector<16xi32>
        %parallel_loop3A_706 = arith.addi %parallel_loop3A_705, %parallel_loop3A_698 : vector<16xi32>
        %parallel_loop3A_707 = arith.constant 2 : i32
        %parallel_loop3A_708 = arith.constant 0 : i32
        %parallel_loop3A_709 = arith.constant 0 : i32
        %parallel_loop3A_710 = tpu.memref_slice %arg6[%parallel_loop3A_707, %parallel_loop3A_708, %parallel_loop3A_709] : memref<5x128x64xf32, #tpu.memory_space<vmem>> -> memref<1x128x64xf32, #tpu.memory_space<vmem>>
        %parallel_loop3A_711 = tpu.memref_squeeze %parallel_loop3A_710 : memref<1x128x64xf32, #tpu.memory_space<vmem>> -> memref<128x64xf32, #tpu.memory_space<vmem>>
        %parallel_loop3A_712 = tpu.vector_load_idx %parallel_loop3A_711[%parallel_loop3A_702, %parallel_loop3A_706] : memref<128x64xf32, #tpu.memory_space<vmem>>[vector<16xi32>, vector<16xi32>], vector<16xf32>,
        %parallel_loop3A_713 = arith.constant 7 : i32
        %parallel_loop3A_714 = vector.broadcast %parallel_loop3A_713 : i32 to vector<16xi32>
        %parallel_loop3A_715 = arith.andi %parallel_loop3A_698, %parallel_loop3A_714 : vector<16xi32>
        %parallel_loop3A_716 = arith.constant 128 : i32
        %parallel_loop3A_717 = vector.broadcast %parallel_loop3A_716 : i32 to vector<16xi32>
        %parallel_loop3A_718 = arith.muli %parallel_loop3A_715, %parallel_loop3A_717 : vector<16xi32>
        %parallel_loop3A_719 = arith.addi %parallel_loop3A_718, %parallel_loop3A_702 : vector<16xi32>
        %parallel_loop3A_720 = arith.constant 2 : i32
        %parallel_loop3A_721 = arith.muli %parallel_loop3A_693, %parallel_loop3A_720 : i32
        %parallel_loop3A_722 = arith.constant 3 : i32
        %parallel_loop3A_723 = vector.broadcast %parallel_loop3A_722 : i32 to vector<16xi32>
        %parallel_loop3A_724 = arith.shrsi %parallel_loop3A_698, %parallel_loop3A_723 : vector<16xi32>
        %parallel_loop3A_725 = vector.broadcast %parallel_loop3A_721 : i32 to vector<16xi32>
        %parallel_loop3A_726 = arith.addi %parallel_loop3A_725, %parallel_loop3A_724 : vector<16xi32>
        %parallel_loop3A_727 = arith.constant 2 : i32
        %parallel_loop3A_728 = arith.constant 0 : i32
        %parallel_loop3A_729 = arith.constant 0 : i32
        %parallel_loop3A_730 = tpu.memref_slice %arg7[%parallel_loop3A_727, %parallel_loop3A_728, %parallel_loop3A_729] : memref<5x8x1024xf32, #tpu.memory_space<vmem>> -> memref<1x8x1024xf32, #tpu.memory_space<vmem>>
        %parallel_loop3A_731 = tpu.memref_squeeze %parallel_loop3A_730 : memref<1x8x1024xf32, #tpu.memory_space<vmem>> -> memref<8x1024xf32, #tpu.memory_space<vmem>>
        tpu.vector_store_idx %parallel_loop3A_731[%parallel_loop3A_726, %parallel_loop3A_719], %parallel_loop3A_712 : memref<8x1024xf32, #tpu.memory_space<vmem>>[vector<16xi32>, vector<16xi32>], vector<16xf32>,
      } {sc.loop_unroll_factor = 32 : i64, sc.parallel_access}
      %dma_start3A_562 = arith.constant 2 : i32
      %dma_start3A_563 = arith.constant 2 : i32
      %dma_start3A_564 = arith.constant 0 : i32
      %dma_start3A_565 = arith.constant 0 : i32
      %dma_start3A_566 = tpu.memref_slice %arg7[%dma_start3A_562, %dma_start3A_564, %dma_start3A_565] : memref<5x8x1024xf32, #tpu.memory_space<vmem>> -> memref<1x8x1024xf32, #tpu.memory_space<vmem>>
      %dma_start3A_567 = tpu.memref_squeeze %dma_start3A_566 : memref<1x8x1024xf32, #tpu.memory_space<vmem>> -> memref<8x1024xf32, #tpu.memory_space<vmem>>
      %dma_start3A_568 = arith.constant 0 : i32
      %dma_start3A_569 = arith.constant 0 : i32
      %dma_start3A_570 = tpu.memref_slice %arg4[%add3A_539, %dma_start3A_568, %add3A, %dma_start3A_569] : memref<200x8x32x1024xf32, #tpu.memory_space<hbm>> -> memref<1x8x1x1024xf32, #tpu.memory_space<hbm>>
      %dma_start3A_571 = tpu.memref_squeeze %dma_start3A_570 : memref<1x8x1x1024xf32, #tpu.memory_space<hbm>> -> memref<8x1024xf32, #tpu.memory_space<hbm>>
      %dma_start3A_572 = tpu.memref_slice %arg9[%dma_start3A_563] : memref<5x!tpu.dma_semaphore, #tpu.memory_space<semaphore_mem>> -> memref<1x!tpu.dma_semaphore, #tpu.memory_space<semaphore_mem>>
      %dma_start3A_573 = tpu.memref_squeeze %dma_start3A_572 : memref<1x!tpu.dma_semaphore, #tpu.memory_space<semaphore_mem>> -> memref<!tpu.dma_semaphore, #tpu.memory_space<semaphore_mem>>
      %dma_start3A_574 = arith.constant 0 : i32
      %dma_start3A_575 = arith.constant 0 : i32
      %dma_start3A_576 = tpu.memref_slice %arg4[%add3A_539, %dma_start3A_574, %add3A, %dma_start3A_575] : memref<200x8x32x1024xf32, #tpu.memory_space<hbm>> -> memref<1x8x1x1024xf32, #tpu.memory_space<hbm>>
      %dma_start3A_577 = tpu.memref_squeeze %dma_start3A_576 : memref<1x8x1x1024xf32, #tpu.memory_space<hbm>> -> memref<8x1024xf32, #tpu.memory_space<hbm>>
      %dma_start3A_578 = arith.constant 0 : i32
      %dma_start3A_579 = arith.constant 0 : i32
      %dma_start3A_580 = tpu.memref_slice %arg7[%dma_start3A_562, %dma_start3A_578, %dma_start3A_579] : memref<5x8x1024xf32, #tpu.memory_space<vmem>> -> memref<1x8x1024xf32, #tpu.memory_space<vmem>>
      %dma_start3A_581 = tpu.memref_squeeze %dma_start3A_580 : memref<1x8x1024xf32, #tpu.memory_space<vmem>> -> memref<8x1024xf32, #tpu.memory_space<vmem>>
      tpu.enqueue_dma source(%dma_start3A_581 : memref<8x1024xf32, #tpu.memory_space<vmem>>) target(%dma_start3A_577 : memref<8x1024xf32, #tpu.memory_space<hbm>>) target_semaphore(%dma_start3A_573 : memref<!tpu.dma_semaphore, #tpu.memory_space<semaphore_mem>>)
      %lt3A_582 = arith.constant 195 : i32
      %lt3A_583 = arith.cmpi slt, %add3A_444, %lt3A_582 : i32
      %convert_element_type3A_584 = arith.extui %lt3A_583 : i1 to i32
      %cond3A_585 = arith.constant 0 : i32
      %cond3A_586 = arith.cmpi ne, %convert_element_type3A_584, %cond3A_585 : i32
      scf.if %cond3A_586 {
        %add3A_685 = arith.constant 5 : i32
        %add3A_686 = arith.addi %add3A_539, %add3A_685 : i32
        %dma_start3A_687 = arith.constant 2 : i32
        %dma_start3A_688 = arith.constant 2 : i32
        %dma_start3A_689 = arith.constant 0 : i32
        %dma_start3A_690 = arith.constant 0 : i32
        %dma_start3A_691 = tpu.memref_slice %arg6[%dma_start3A_687, %dma_start3A_689, %dma_start3A_690] : memref<5x128x64xf32, #tpu.memory_space<vmem>> -> memref<1x128x64xf32, #tpu.memory_space<vmem>>
        %dma_start3A_692 = tpu.memref_squeeze %dma_start3A_691 : memref<1x128x64xf32, #tpu.memory_space<vmem>> -> memref<128x64xf32, #tpu.memory_space<vmem>>
        %dma_start3A_693 = arith.constant 0 : i32
        %dma_start3A_694 = tpu.memref_slice %arg5[%add3A_686, %dma_start3A_693] : memref<200x128xi32, #tpu.memory_space<vmem>> -> memref<1x128xi32, #tpu.memory_space<vmem>>
        %dma_start3A_695 = tpu.memref_squeeze %dma_start3A_694 : memref<1x128xi32, #tpu.memory_space<vmem>> -> memref<128xi32, #tpu.memory_space<vmem>>
        %dma_start3A_696 = arith.constant 0 : i32
        %dma_start3A_697 = arith.constant 0 : i32
        %dma_start3A_698 = tpu.memref_slice %arg3[%dma_start3A_696, %dma_start3A_697] : memref<100000x64xf32, #tpu.memory_space<hbm>> -> memref<100000x64xf32, #tpu.memory_space<hbm>>
        %dma_start3A_699 = tpu.memref_slice %arg8[%dma_start3A_688] : memref<5x!tpu.dma_semaphore, #tpu.memory_space<semaphore_mem>> -> memref<1x!tpu.dma_semaphore, #tpu.memory_space<semaphore_mem>>
        %dma_start3A_700 = tpu.memref_squeeze %dma_start3A_699 : memref<1x!tpu.dma_semaphore, #tpu.memory_space<semaphore_mem>> -> memref<!tpu.dma_semaphore, #tpu.memory_space<semaphore_mem>>
        tpu.enqueue_indirect_dma source(%dma_start3A_698 : memref<100000x64xf32, #tpu.memory_space<hbm>>) target(%dma_start3A_692 : memref<128x64xf32, #tpu.memory_space<vmem>>) offsets(%dma_start3A_695 : memref<128xi32, #tpu.memory_space<vmem>>) semaphore(%dma_start3A_700 : memref<!tpu.dma_semaphore, #tpu.memory_space<semaphore_mem>>)
      } else {
      }
      %add3A_587 = arith.constant 3 : i32
      %add3A_588 = arith.addi %add3A_444, %add3A_587 : i32
      %dma_wait3A_589 = arith.constant 3 : i32
      %dma_wait3A_590 = arith.constant 3 : i32
      %dma_wait3A_591 = arith.constant 0 : i32
      %dma_wait3A_592 = arith.constant 0 : i32
      %dma_wait3A_593 = tpu.memref_slice %arg6[%dma_wait3A_589, %dma_wait3A_591, %dma_wait3A_592] : memref<5x128x64xf32, #tpu.memory_space<vmem>> -> memref<1x128x64xf32, #tpu.memory_space<vmem>>
      %dma_wait3A_594 = tpu.memref_squeeze %dma_wait3A_593 : memref<1x128x64xf32, #tpu.memory_space<vmem>> -> memref<128x64xf32, #tpu.memory_space<vmem>>
      %dma_wait3A_595 = arith.constant 0 : i32
      %dma_wait3A_596 = tpu.memref_slice %arg5[%add3A_588, %dma_wait3A_595] : memref<200x128xi32, #tpu.memory_space<vmem>> -> memref<1x128xi32, #tpu.memory_space<vmem>>
      %dma_wait3A_597 = tpu.memref_squeeze %dma_wait3A_596 : memref<1x128xi32, #tpu.memory_space<vmem>> -> memref<128xi32, #tpu.memory_space<vmem>>
      %dma_wait3A_598 = arith.constant 0 : i32
      %dma_wait3A_599 = arith.constant 0 : i32
      %dma_wait3A_600 = tpu.memref_slice %arg3[%dma_wait3A_598, %dma_wait3A_599] : memref<100000x64xf32, #tpu.memory_space<hbm>> -> memref<100000x64xf32, #tpu.memory_space<hbm>>
      %dma_wait3A_601 = tpu.memref_slice %arg8[%dma_wait3A_590] : memref<5x!tpu.dma_semaphore, #tpu.memory_space<semaphore_mem>> -> memref<1x!tpu.dma_semaphore, #tpu.memory_space<semaphore_mem>>
      %dma_wait3A_602 = tpu.memref_squeeze %dma_wait3A_601 : memref<1x!tpu.dma_semaphore, #tpu.memory_space<semaphore_mem>> -> memref<!tpu.dma_semaphore, #tpu.memory_space<semaphore_mem>>
      tpu.wait_indirect_dma semaphore(%dma_wait3A_602 : memref<!tpu.dma_semaphore, #tpu.memory_space<semaphore_mem>>) src(%dma_wait3A_600 : memref<100000x64xf32, #tpu.memory_space<hbm>>) dst(%dma_wait3A_594 : memref<128x64xf32, #tpu.memory_space<vmem>>)
      %gt3A_603 = arith.constant 0 : i32
      %gt3A_604 = arith.cmpi sgt, %add3A_444, %gt3A_603 : i32
      %convert_element_type3A_605 = arith.extui %gt3A_604 : i1 to i32
      %cond3A_606 = arith.constant 0 : i32
      %cond3A_607 = arith.cmpi ne, %convert_element_type3A_605, %cond3A_606 : i32
      scf.if %cond3A_607 {
        %sub3A = arith.constant 5 : i32
        %sub3A_685 = arith.subi %add3A_588, %sub3A : i32
        %dma_wait3A_686 = arith.constant 3 : i32
        %dma_wait3A_687 = arith.constant 3 : i32
        %dma_wait3A_688 = arith.constant 0 : i32
        %dma_wait3A_689 = arith.constant 0 : i32
        %dma_wait3A_690 = tpu.memref_slice %arg7[%dma_wait3A_686, %dma_wait3A_688, %dma_wait3A_689] : memref<5x8x1024xf32, #tpu.memory_space<vmem>> -> memref<1x8x1024xf32, #tpu.memory_space<vmem>>
        %dma_wait3A_691 = tpu.memref_squeeze %dma_wait3A_690 : memref<1x8x1024xf32, #tpu.memory_space<vmem>> -> memref<8x1024xf32, #tpu.memory_space<vmem>>
        %dma_wait3A_692 = arith.constant 0 : i32
        %dma_wait3A_693 = arith.constant 0 : i32
        %dma_wait3A_694 = tpu.memref_slice %arg4[%sub3A_685, %dma_wait3A_692, %add3A, %dma_wait3A_693] : memref<200x8x32x1024xf32, #tpu.memory_space<hbm>> -> memref<1x8x1x1024xf32, #tpu.memory_space<hbm>>
        %dma_wait3A_695 = tpu.memref_squeeze %dma_wait3A_694 : memref<1x8x1x1024xf32, #tpu.memory_space<hbm>> -> memref<8x1024xf32, #tpu.memory_space<hbm>>
        %dma_wait3A_696 = tpu.memref_slice %arg9[%dma_wait3A_687] : memref<5x!tpu.dma_semaphore, #tpu.memory_space<semaphore_mem>> -> memref<1x!tpu.dma_semaphore, #tpu.memory_space<semaphore_mem>>
        %dma_wait3A_697 = tpu.memref_squeeze %dma_wait3A_696 : memref<1x!tpu.dma_semaphore, #tpu.memory_space<semaphore_mem>> -> memref<!tpu.dma_semaphore, #tpu.memory_space<semaphore_mem>>
        %dma_wait3A_698 = arith.constant 0 : i32
        %dma_wait3A_699 = arith.constant 0 : i32
        %dma_wait3A_700 = tpu.memref_slice %arg4[%sub3A_685, %dma_wait3A_698, %add3A, %dma_wait3A_699] : memref<200x8x32x1024xf32, #tpu.memory_space<hbm>> -> memref<1x8x1x1024xf32, #tpu.memory_space<hbm>>
        %dma_wait3A_701 = tpu.memref_squeeze %dma_wait3A_700 : memref<1x8x1x1024xf32, #tpu.memory_space<hbm>> -> memref<8x1024xf32, #tpu.memory_space<hbm>>
        %dma_wait3A_702 = arith.constant 0 : i32
        %dma_wait3A_703 = arith.constant 0 : i32
        %dma_wait3A_704 = tpu.memref_slice %arg7[%dma_wait3A_686, %dma_wait3A_702, %dma_wait3A_703] : memref<5x8x1024xf32, #tpu.memory_space<vmem>> -> memref<1x8x1024xf32, #tpu.memory_space<vmem>>
        %dma_wait3A_705 = tpu.memref_squeeze %dma_wait3A_704 : memref<1x8x1024xf32, #tpu.memory_space<vmem>> -> memref<8x1024xf32, #tpu.memory_space<vmem>>
        tpu.wait_dma2 semaphore(%dma_wait3A_697 : memref<!tpu.dma_semaphore, #tpu.memory_space<semaphore_mem>>) src(%dma_wait3A_705 : memref<8x1024xf32, #tpu.memory_space<vmem>>) dst(%dma_wait3A_701 : memref<8x1024xf32, #tpu.memory_space<hbm>>)
      } else {
      }
      %parallel_loop3A_608 = arith.constant 0 : i32
      %parallel_loop3A_609 = arith.constant 512 : i32
      %parallel_loop3A_610 = arith.constant 1 : i32
      scf.for %parallel_loop3A_685 = %parallel_loop3A_608 to %parallel_loop3A_609 step %parallel_loop3A_610  : i32 {
        %parallel_loop3A_686 = arith.constant 4 : i32
        %parallel_loop3A_687 = arith.shrsi %parallel_loop3A_685, %parallel_loop3A_686 : i32
        %parallel_loop3A_688 = arith.constant 15 : i32
        %parallel_loop3A_689 = arith.andi %parallel_loop3A_685, %parallel_loop3A_688 : i32
        %parallel_loop3A_690 = arith.constant 2 : i32
        %parallel_loop3A_691 = arith.shrsi %parallel_loop3A_687, %parallel_loop3A_690 : i32
        %parallel_loop3A_692 = arith.constant 3 : i32
        %parallel_loop3A_693 = arith.andi %parallel_loop3A_687, %parallel_loop3A_692 : i32
        %parallel_loop3A_694 = vector.broadcast %parallel_loop3A_689 : i32 to vector<16xi32>
        %parallel_loop3A_695 = arith.addi %iota3A, %parallel_loop3A_694 : vector<16xi32>
        %parallel_loop3A_696 = arith.constant 15 : i32
        %parallel_loop3A_697 = vector.broadcast %parallel_loop3A_696 : i32 to vector<16xi32>
        %parallel_loop3A_698 = arith.andi %parallel_loop3A_695, %parallel_loop3A_697 : vector<16xi32>
        %parallel_loop3A_699 = arith.constant 16 : i32
        %parallel_loop3A_700 = arith.muli %parallel_loop3A_691, %parallel_loop3A_699 : i32
        %parallel_loop3A_701 = vector.broadcast %parallel_loop3A_700 : i32 to vector<16xi32>
        %parallel_loop3A_702 = arith.addi %parallel_loop3A_701, %iota3A : vector<16xi32>
        %parallel_loop3A_703 = arith.constant 16 : i32
        %parallel_loop3A_704 = arith.muli %parallel_loop3A_693, %parallel_loop3A_703 : i32
        %parallel_loop3A_705 = vector.broadcast %parallel_loop3A_704 : i32 to vector<16xi32>
        %parallel_loop3A_706 = arith.addi %parallel_loop3A_705, %parallel_loop3A_698 : vector<16xi32>
        %parallel_loop3A_707 = arith.constant 3 : i32
        %parallel_loop3A_708 = arith.constant 0 : i32
        %parallel_loop3A_709 = arith.constant 0 : i32
        %parallel_loop3A_710 = tpu.memref_slice %arg6[%parallel_loop3A_707, %parallel_loop3A_708, %parallel_loop3A_709] : memref<5x128x64xf32, #tpu.memory_space<vmem>> -> memref<1x128x64xf32, #tpu.memory_space<vmem>>
        %parallel_loop3A_711 = tpu.memref_squeeze %parallel_loop3A_710 : memref<1x128x64xf32, #tpu.memory_space<vmem>> -> memref<128x64xf32, #tpu.memory_space<vmem>>
        %parallel_loop3A_712 = tpu.vector_load_idx %parallel_loop3A_711[%parallel_loop3A_702, %parallel_loop3A_706] : memref<128x64xf32, #tpu.memory_space<vmem>>[vector<16xi32>, vector<16xi32>], vector<16xf32>,
        %parallel_loop3A_713 = arith.constant 7 : i32
        %parallel_loop3A_714 = vector.broadcast %parallel_loop3A_713 : i32 to vector<16xi32>
        %parallel_loop3A_715 = arith.andi %parallel_loop3A_698, %parallel_loop3A_714 : vector<16xi32>
        %parallel_loop3A_716 = arith.constant 128 : i32
        %parallel_loop3A_717 = vector.broadcast %parallel_loop3A_716 : i32 to vector<16xi32>
        %parallel_loop3A_718 = arith.muli %parallel_loop3A_715, %parallel_loop3A_717 : vector<16xi32>
        %parallel_loop3A_719 = arith.addi %parallel_loop3A_718, %parallel_loop3A_702 : vector<16xi32>
        %parallel_loop3A_720 = arith.constant 2 : i32
        %parallel_loop3A_721 = arith.muli %parallel_loop3A_693, %parallel_loop3A_720 : i32
        %parallel_loop3A_722 = arith.constant 3 : i32
        %parallel_loop3A_723 = vector.broadcast %parallel_loop3A_722 : i32 to vector<16xi32>
        %parallel_loop3A_724 = arith.shrsi %parallel_loop3A_698, %parallel_loop3A_723 : vector<16xi32>
        %parallel_loop3A_725 = vector.broadcast %parallel_loop3A_721 : i32 to vector<16xi32>
        %parallel_loop3A_726 = arith.addi %parallel_loop3A_725, %parallel_loop3A_724 : vector<16xi32>
        %parallel_loop3A_727 = arith.constant 3 : i32
        %parallel_loop3A_728 = arith.constant 0 : i32
        %parallel_loop3A_729 = arith.constant 0 : i32
        %parallel_loop3A_730 = tpu.memref_slice %arg7[%parallel_loop3A_727, %parallel_loop3A_728, %parallel_loop3A_729] : memref<5x8x1024xf32, #tpu.memory_space<vmem>> -> memref<1x8x1024xf32, #tpu.memory_space<vmem>>
        %parallel_loop3A_731 = tpu.memref_squeeze %parallel_loop3A_730 : memref<1x8x1024xf32, #tpu.memory_space<vmem>> -> memref<8x1024xf32, #tpu.memory_space<vmem>>
        tpu.vector_store_idx %parallel_loop3A_731[%parallel_loop3A_726, %parallel_loop3A_719], %parallel_loop3A_712 : memref<8x1024xf32, #tpu.memory_space<vmem>>[vector<16xi32>, vector<16xi32>], vector<16xf32>,
      } {sc.loop_unroll_factor = 32 : i64, sc.parallel_access}
      %dma_start3A_611 = arith.constant 3 : i32
      %dma_start3A_612 = arith.constant 3 : i32
      %dma_start3A_613 = arith.constant 0 : i32
      %dma_start3A_614 = arith.constant 0 : i32
      %dma_start3A_615 = tpu.memref_slice %arg7[%dma_start3A_611, %dma_start3A_613, %dma_start3A_614] : memref<5x8x1024xf32, #tpu.memory_space<vmem>> -> memref<1x8x1024xf32, #tpu.memory_space<vmem>>
      %dma_start3A_616 = tpu.memref_squeeze %dma_start3A_615 : memref<1x8x1024xf32, #tpu.memory_space<vmem>> -> memref<8x1024xf32, #tpu.memory_space<vmem>>
      %dma_start3A_617 = arith.constant 0 : i32
      %dma_start3A_618 = arith.constant 0 : i32
      %dma_start3A_619 = tpu.memref_slice %arg4[%add3A_588, %dma_start3A_617, %add3A, %dma_start3A_618] : memref<200x8x32x1024xf32, #tpu.memory_space<hbm>> -> memref<1x8x1x1024xf32, #tpu.memory_space<hbm>>
      %dma_start3A_620 = tpu.memref_squeeze %dma_start3A_619 : memref<1x8x1x1024xf32, #tpu.memory_space<hbm>> -> memref<8x1024xf32, #tpu.memory_space<hbm>>
      %dma_start3A_621 = tpu.memref_slice %arg9[%dma_start3A_612] : memref<5x!tpu.dma_semaphore, #tpu.memory_space<semaphore_mem>> -> memref<1x!tpu.dma_semaphore, #tpu.memory_space<semaphore_mem>>
      %dma_start3A_622 = tpu.memref_squeeze %dma_start3A_621 : memref<1x!tpu.dma_semaphore, #tpu.memory_space<semaphore_mem>> -> memref<!tpu.dma_semaphore, #tpu.memory_space<semaphore_mem>>
      %dma_start3A_623 = arith.constant 0 : i32
      %dma_start3A_624 = arith.constant 0 : i32
      %dma_start3A_625 = tpu.memref_slice %arg4[%add3A_588, %dma_start3A_623, %add3A, %dma_start3A_624] : memref<200x8x32x1024xf32, #tpu.memory_space<hbm>> -> memref<1x8x1x1024xf32, #tpu.memory_space<hbm>>
      %dma_start3A_626 = tpu.memref_squeeze %dma_start3A_625 : memref<1x8x1x1024xf32, #tpu.memory_space<hbm>> -> memref<8x1024xf32, #tpu.memory_space<hbm>>
      %dma_start3A_627 = arith.constant 0 : i32
      %dma_start3A_628 = arith.constant 0 : i32
      %dma_start3A_629 = tpu.memref_slice %arg7[%dma_start3A_611, %dma_start3A_627, %dma_start3A_628] : memref<5x8x1024xf32, #tpu.memory_space<vmem>> -> memref<1x8x1024xf32, #tpu.memory_space<vmem>>
      %dma_start3A_630 = tpu.memref_squeeze %dma_start3A_629 : memref<1x8x1024xf32, #tpu.memory_space<vmem>> -> memref<8x1024xf32, #tpu.memory_space<vmem>>
      tpu.enqueue_dma source(%dma_start3A_630 : memref<8x1024xf32, #tpu.memory_space<vmem>>) target(%dma_start3A_626 : memref<8x1024xf32, #tpu.memory_space<hbm>>) target_semaphore(%dma_start3A_622 : memref<!tpu.dma_semaphore, #tpu.memory_space<semaphore_mem>>)
      %lt3A_631 = arith.constant 195 : i32
      %lt3A_632 = arith.cmpi slt, %add3A_444, %lt3A_631 : i32
      %convert_element_type3A_633 = arith.extui %lt3A_632 : i1 to i32
      %cond3A_634 = arith.constant 0 : i32
      %cond3A_635 = arith.cmpi ne, %convert_element_type3A_633, %cond3A_634 : i32
      scf.if %cond3A_635 {
        %add3A_685 = arith.constant 5 : i32
        %add3A_686 = arith.addi %add3A_588, %add3A_685 : i32
        %dma_start3A_687 = arith.constant 3 : i32
        %dma_start3A_688 = arith.constant 3 : i32
        %dma_start3A_689 = arith.constant 0 : i32
        %dma_start3A_690 = arith.constant 0 : i32
        %dma_start3A_691 = tpu.memref_slice %arg6[%dma_start3A_687, %dma_start3A_689, %dma_start3A_690] : memref<5x128x64xf32, #tpu.memory_space<vmem>> -> memref<1x128x64xf32, #tpu.memory_space<vmem>>
        %dma_start3A_692 = tpu.memref_squeeze %dma_start3A_691 : memref<1x128x64xf32, #tpu.memory_space<vmem>> -> memref<128x64xf32, #tpu.memory_space<vmem>>
        %dma_start3A_693 = arith.constant 0 : i32
        %dma_start3A_694 = tpu.memref_slice %arg5[%add3A_686, %dma_start3A_693] : memref<200x128xi32, #tpu.memory_space<vmem>> -> memref<1x128xi32, #tpu.memory_space<vmem>>
        %dma_start3A_695 = tpu.memref_squeeze %dma_start3A_694 : memref<1x128xi32, #tpu.memory_space<vmem>> -> memref<128xi32, #tpu.memory_space<vmem>>
        %dma_start3A_696 = arith.constant 0 : i32
        %dma_start3A_697 = arith.constant 0 : i32
        %dma_start3A_698 = tpu.memref_slice %arg3[%dma_start3A_696, %dma_start3A_697] : memref<100000x64xf32, #tpu.memory_space<hbm>> -> memref<100000x64xf32, #tpu.memory_space<hbm>>
        %dma_start3A_699 = tpu.memref_slice %arg8[%dma_start3A_688] : memref<5x!tpu.dma_semaphore, #tpu.memory_space<semaphore_mem>> -> memref<1x!tpu.dma_semaphore, #tpu.memory_space<semaphore_mem>>
        %dma_start3A_700 = tpu.memref_squeeze %dma_start3A_699 : memref<1x!tpu.dma_semaphore, #tpu.memory_space<semaphore_mem>> -> memref<!tpu.dma_semaphore, #tpu.memory_space<semaphore_mem>>
        tpu.enqueue_indirect_dma source(%dma_start3A_698 : memref<100000x64xf32, #tpu.memory_space<hbm>>) target(%dma_start3A_692 : memref<128x64xf32, #tpu.memory_space<vmem>>) offsets(%dma_start3A_695 : memref<128xi32, #tpu.memory_space<vmem>>) semaphore(%dma_start3A_700 : memref<!tpu.dma_semaphore, #tpu.memory_space<semaphore_mem>>)
      } else {
      }
      %add3A_636 = arith.constant 4 : i32
      %add3A_637 = arith.addi %add3A_444, %add3A_636 : i32
      %dma_wait3A_638 = arith.constant 4 : i32
      %dma_wait3A_639 = arith.constant 4 : i32
      %dma_wait3A_640 = arith.constant 0 : i32
      %dma_wait3A_641 = arith.constant 0 : i32
      %dma_wait3A_642 = tpu.memref_slice %arg6[%dma_wait3A_638, %dma_wait3A_640, %dma_wait3A_641] : memref<5x128x64xf32, #tpu.memory_space<vmem>> -> memref<1x128x64xf32, #tpu.memory_space<vmem>>
      %dma_wait3A_643 = tpu.memref_squeeze %dma_wait3A_642 : memref<1x128x64xf32, #tpu.memory_space<vmem>> -> memref<128x64xf32, #tpu.memory_space<vmem>>
      %dma_wait3A_644 = arith.constant 0 : i32
      %dma_wait3A_645 = tpu.memref_slice %arg5[%add3A_637, %dma_wait3A_644] : memref<200x128xi32, #tpu.memory_space<vmem>> -> memref<1x128xi32, #tpu.memory_space<vmem>>
      %dma_wait3A_646 = tpu.memref_squeeze %dma_wait3A_645 : memref<1x128xi32, #tpu.memory_space<vmem>> -> memref<128xi32, #tpu.memory_space<vmem>>
      %dma_wait3A_647 = arith.constant 0 : i32
      %dma_wait3A_648 = arith.constant 0 : i32
      %dma_wait3A_649 = tpu.memref_slice %arg3[%dma_wait3A_647, %dma_wait3A_648] : memref<100000x64xf32, #tpu.memory_space<hbm>> -> memref<100000x64xf32, #tpu.memory_space<hbm>>
      %dma_wait3A_650 = tpu.memref_slice %arg8[%dma_wait3A_639] : memref<5x!tpu.dma_semaphore, #tpu.memory_space<semaphore_mem>> -> memref<1x!tpu.dma_semaphore, #tpu.memory_space<semaphore_mem>>
      %dma_wait3A_651 = tpu.memref_squeeze %dma_wait3A_650 : memref<1x!tpu.dma_semaphore, #tpu.memory_space<semaphore_mem>> -> memref<!tpu.dma_semaphore, #tpu.memory_space<semaphore_mem>>
      tpu.wait_indirect_dma semaphore(%dma_wait3A_651 : memref<!tpu.dma_semaphore, #tpu.memory_space<semaphore_mem>>) src(%dma_wait3A_649 : memref<100000x64xf32, #tpu.memory_space<hbm>>) dst(%dma_wait3A_643 : memref<128x64xf32, #tpu.memory_space<vmem>>)
      %gt3A_652 = arith.constant 0 : i32
      %gt3A_653 = arith.cmpi sgt, %add3A_444, %gt3A_652 : i32
      %convert_element_type3A_654 = arith.extui %gt3A_653 : i1 to i32
      %cond3A_655 = arith.constant 0 : i32
      %cond3A_656 = arith.cmpi ne, %convert_element_type3A_654, %cond3A_655 : i32
      scf.if %cond3A_656 {
        %sub3A = arith.constant 5 : i32
        %sub3A_685 = arith.subi %add3A_637, %sub3A : i32
        %dma_wait3A_686 = arith.constant 4 : i32
        %dma_wait3A_687 = arith.constant 4 : i32
        %dma_wait3A_688 = arith.constant 0 : i32
        %dma_wait3A_689 = arith.constant 0 : i32
        %dma_wait3A_690 = tpu.memref_slice %arg7[%dma_wait3A_686, %dma_wait3A_688, %dma_wait3A_689] : memref<5x8x1024xf32, #tpu.memory_space<vmem>> -> memref<1x8x1024xf32, #tpu.memory_space<vmem>>
        %dma_wait3A_691 = tpu.memref_squeeze %dma_wait3A_690 : memref<1x8x1024xf32, #tpu.memory_space<vmem>> -> memref<8x1024xf32, #tpu.memory_space<vmem>>
        %dma_wait3A_692 = arith.constant 0 : i32
        %dma_wait3A_693 = arith.constant 0 : i32
        %dma_wait3A_694 = tpu.memref_slice %arg4[%sub3A_685, %dma_wait3A_692, %add3A, %dma_wait3A_693] : memref<200x8x32x1024xf32, #tpu.memory_space<hbm>> -> memref<1x8x1x1024xf32, #tpu.memory_space<hbm>>
        %dma_wait3A_695 = tpu.memref_squeeze %dma_wait3A_694 : memref<1x8x1x1024xf32, #tpu.memory_space<hbm>> -> memref<8x1024xf32, #tpu.memory_space<hbm>>
        %dma_wait3A_696 = tpu.memref_slice %arg9[%dma_wait3A_687] : memref<5x!tpu.dma_semaphore, #tpu.memory_space<semaphore_mem>> -> memref<1x!tpu.dma_semaphore, #tpu.memory_space<semaphore_mem>>
        %dma_wait3A_697 = tpu.memref_squeeze %dma_wait3A_696 : memref<1x!tpu.dma_semaphore, #tpu.memory_space<semaphore_mem>> -> memref<!tpu.dma_semaphore, #tpu.memory_space<semaphore_mem>>
        %dma_wait3A_698 = arith.constant 0 : i32
        %dma_wait3A_699 = arith.constant 0 : i32
        %dma_wait3A_700 = tpu.memref_slice %arg4[%sub3A_685, %dma_wait3A_698, %add3A, %dma_wait3A_699] : memref<200x8x32x1024xf32, #tpu.memory_space<hbm>> -> memref<1x8x1x1024xf32, #tpu.memory_space<hbm>>
        %dma_wait3A_701 = tpu.memref_squeeze %dma_wait3A_700 : memref<1x8x1x1024xf32, #tpu.memory_space<hbm>> -> memref<8x1024xf32, #tpu.memory_space<hbm>>
        %dma_wait3A_702 = arith.constant 0 : i32
        %dma_wait3A_703 = arith.constant 0 : i32
        %dma_wait3A_704 = tpu.memref_slice %arg7[%dma_wait3A_686, %dma_wait3A_702, %dma_wait3A_703] : memref<5x8x1024xf32, #tpu.memory_space<vmem>> -> memref<1x8x1024xf32, #tpu.memory_space<vmem>>
        %dma_wait3A_705 = tpu.memref_squeeze %dma_wait3A_704 : memref<1x8x1024xf32, #tpu.memory_space<vmem>> -> memref<8x1024xf32, #tpu.memory_space<vmem>>
        tpu.wait_dma2 semaphore(%dma_wait3A_697 : memref<!tpu.dma_semaphore, #tpu.memory_space<semaphore_mem>>) src(%dma_wait3A_705 : memref<8x1024xf32, #tpu.memory_space<vmem>>) dst(%dma_wait3A_701 : memref<8x1024xf32, #tpu.memory_space<hbm>>)
      } else {
      }
      %parallel_loop3A_657 = arith.constant 0 : i32
      %parallel_loop3A_658 = arith.constant 512 : i32
      %parallel_loop3A_659 = arith.constant 1 : i32
      scf.for %parallel_loop3A_685 = %parallel_loop3A_657 to %parallel_loop3A_658 step %parallel_loop3A_659  : i32 {
        %parallel_loop3A_686 = arith.constant 4 : i32
        %parallel_loop3A_687 = arith.shrsi %parallel_loop3A_685, %parallel_loop3A_686 : i32
        %parallel_loop3A_688 = arith.constant 15 : i32
        %parallel_loop3A_689 = arith.andi %parallel_loop3A_685, %parallel_loop3A_688 : i32
        %parallel_loop3A_690 = arith.constant 2 : i32
        %parallel_loop3A_691 = arith.shrsi %parallel_loop3A_687, %parallel_loop3A_690 : i32
        %parallel_loop3A_692 = arith.constant 3 : i32
        %parallel_loop3A_693 = arith.andi %parallel_loop3A_687, %parallel_loop3A_692 : i32
        %parallel_loop3A_694 = vector.broadcast %parallel_loop3A_689 : i32 to vector<16xi32>
        %parallel_loop3A_695 = arith.addi %iota3A, %parallel_loop3A_694 : vector<16xi32>
        %parallel_loop3A_696 = arith.constant 15 : i32
        %parallel_loop3A_697 = vector.broadcast %parallel_loop3A_696 : i32 to vector<16xi32>
        %parallel_loop3A_698 = arith.andi %parallel_loop3A_695, %parallel_loop3A_697 : vector<16xi32>
        %parallel_loop3A_699 = arith.constant 16 : i32
        %parallel_loop3A_700 = arith.muli %parallel_loop3A_691, %parallel_loop3A_699 : i32
        %parallel_loop3A_701 = vector.broadcast %parallel_loop3A_700 : i32 to vector<16xi32>
        %parallel_loop3A_702 = arith.addi %parallel_loop3A_701, %iota3A : vector<16xi32>
        %parallel_loop3A_703 = arith.constant 16 : i32
        %parallel_loop3A_704 = arith.muli %parallel_loop3A_693, %parallel_loop3A_703 : i32
        %parallel_loop3A_705 = vector.broadcast %parallel_loop3A_704 : i32 to vector<16xi32>
        %parallel_loop3A_706 = arith.addi %parallel_loop3A_705, %parallel_loop3A_698 : vector<16xi32>
        %parallel_loop3A_707 = arith.constant 4 : i32
        %parallel_loop3A_708 = arith.constant 0 : i32
        %parallel_loop3A_709 = arith.constant 0 : i32
        %parallel_loop3A_710 = tpu.memref_slice %arg6[%parallel_loop3A_707, %parallel_loop3A_708, %parallel_loop3A_709] : memref<5x128x64xf32, #tpu.memory_space<vmem>> -> memref<1x128x64xf32, #tpu.memory_space<vmem>>
        %parallel_loop3A_711 = tpu.memref_squeeze %parallel_loop3A_710 : memref<1x128x64xf32, #tpu.memory_space<vmem>> -> memref<128x64xf32, #tpu.memory_space<vmem>>
        %parallel_loop3A_712 = tpu.vector_load_idx %parallel_loop3A_711[%parallel_loop3A_702, %parallel_loop3A_706] : memref<128x64xf32, #tpu.memory_space<vmem>>[vector<16xi32>, vector<16xi32>], vector<16xf32>,
        %parallel_loop3A_713 = arith.constant 7 : i32
        %parallel_loop3A_714 = vector.broadcast %parallel_loop3A_713 : i32 to vector<16xi32>
        %parallel_loop3A_715 = arith.andi %parallel_loop3A_698, %parallel_loop3A_714 : vector<16xi32>
        %parallel_loop3A_716 = arith.constant 128 : i32
        %parallel_loop3A_717 = vector.broadcast %parallel_loop3A_716 : i32 to vector<16xi32>
        %parallel_loop3A_718 = arith.muli %parallel_loop3A_715, %parallel_loop3A_717 : vector<16xi32>
        %parallel_loop3A_719 = arith.addi %parallel_loop3A_718, %parallel_loop3A_702 : vector<16xi32>
        %parallel_loop3A_720 = arith.constant 2 : i32
        %parallel_loop3A_721 = arith.muli %parallel_loop3A_693, %parallel_loop3A_720 : i32
        %parallel_loop3A_722 = arith.constant 3 : i32
        %parallel_loop3A_723 = vector.broadcast %parallel_loop3A_722 : i32 to vector<16xi32>
        %parallel_loop3A_724 = arith.shrsi %parallel_loop3A_698, %parallel_loop3A_723 : vector<16xi32>
        %parallel_loop3A_725 = vector.broadcast %parallel_loop3A_721 : i32 to vector<16xi32>
        %parallel_loop3A_726 = arith.addi %parallel_loop3A_725, %parallel_loop3A_724 : vector<16xi32>
        %parallel_loop3A_727 = arith.constant 4 : i32
        %parallel_loop3A_728 = arith.constant 0 : i32
        %parallel_loop3A_729 = arith.constant 0 : i32
        %parallel_loop3A_730 = tpu.memref_slice %arg7[%parallel_loop3A_727, %parallel_loop3A_728, %parallel_loop3A_729] : memref<5x8x1024xf32, #tpu.memory_space<vmem>> -> memref<1x8x1024xf32, #tpu.memory_space<vmem>>
        %parallel_loop3A_731 = tpu.memref_squeeze %parallel_loop3A_730 : memref<1x8x1024xf32, #tpu.memory_space<vmem>> -> memref<8x1024xf32, #tpu.memory_space<vmem>>
        tpu.vector_store_idx %parallel_loop3A_731[%parallel_loop3A_726, %parallel_loop3A_719], %parallel_loop3A_712 : memref<8x1024xf32, #tpu.memory_space<vmem>>[vector<16xi32>, vector<16xi32>], vector<16xf32>,
      } {sc.loop_unroll_factor = 32 : i64, sc.parallel_access}
      %dma_start3A_660 = arith.constant 4 : i32
      %dma_start3A_661 = arith.constant 4 : i32
      %dma_start3A_662 = arith.constant 0 : i32
      %dma_start3A_663 = arith.constant 0 : i32
      %dma_start3A_664 = tpu.memref_slice %arg7[%dma_start3A_660, %dma_start3A_662, %dma_start3A_663] : memref<5x8x1024xf32, #tpu.memory_space<vmem>> -> memref<1x8x1024xf32, #tpu.memory_space<vmem>>
      %dma_start3A_665 = tpu.memref_squeeze %dma_start3A_664 : memref<1x8x1024xf32, #tpu.memory_space<vmem>> -> memref<8x1024xf32, #tpu.memory_space<vmem>>
      %dma_start3A_666 = arith.constant 0 : i32
      %dma_start3A_667 = arith.constant 0 : i32
      %dma_start3A_668 = tpu.memref_slice %arg4[%add3A_637, %dma_start3A_666, %add3A, %dma_start3A_667] : memref<200x8x32x1024xf32, #tpu.memory_space<hbm>> -> memref<1x8x1x1024xf32, #tpu.memory_space<hbm>>
      %dma_start3A_669 = tpu.memref_squeeze %dma_start3A_668 : memref<1x8x1x1024xf32, #tpu.memory_space<hbm>> -> memref<8x1024xf32, #tpu.memory_space<hbm>>
      %dma_start3A_670 = tpu.memref_slice %arg9[%dma_start3A_661] : memref<5x!tpu.dma_semaphore, #tpu.memory_space<semaphore_mem>> -> memref<1x!tpu.dma_semaphore, #tpu.memory_space<semaphore_mem>>
      %dma_start3A_671 = tpu.memref_squeeze %dma_start3A_670 : memref<1x!tpu.dma_semaphore, #tpu.memory_space<semaphore_mem>> -> memref<!tpu.dma_semaphore, #tpu.memory_space<semaphore_mem>>
      %dma_start3A_672 = arith.constant 0 : i32
      %dma_start3A_673 = arith.constant 0 : i32
      %dma_start3A_674 = tpu.memref_slice %arg4[%add3A_637, %dma_start3A_672, %add3A, %dma_start3A_673] : memref<200x8x32x1024xf32, #tpu.memory_space<hbm>> -> memref<1x8x1x1024xf32, #tpu.memory_space<hbm>>
      %dma_start3A_675 = tpu.memref_squeeze %dma_start3A_674 : memref<1x8x1x1024xf32, #tpu.memory_space<hbm>> -> memref<8x1024xf32, #tpu.memory_space<hbm>>
      %dma_start3A_676 = arith.constant 0 : i32
      %dma_start3A_677 = arith.constant 0 : i32
      %dma_start3A_678 = tpu.memref_slice %arg7[%dma_start3A_660, %dma_start3A_676, %dma_start3A_677] : memref<5x8x1024xf32, #tpu.memory_space<vmem>> -> memref<1x8x1024xf32, #tpu.memory_space<vmem>>
      %dma_start3A_679 = tpu.memref_squeeze %dma_start3A_678 : memref<1x8x1024xf32, #tpu.memory_space<vmem>> -> memref<8x1024xf32, #tpu.memory_space<vmem>>
      tpu.enqueue_dma source(%dma_start3A_679 : memref<8x1024xf32, #tpu.memory_space<vmem>>) target(%dma_start3A_675 : memref<8x1024xf32, #tpu.memory_space<hbm>>) target_semaphore(%dma_start3A_671 : memref<!tpu.dma_semaphore, #tpu.memory_space<semaphore_mem>>)
      %lt3A_680 = arith.constant 195 : i32
      %lt3A_681 = arith.cmpi slt, %add3A_444, %lt3A_680 : i32
      %convert_element_type3A_682 = arith.extui %lt3A_681 : i1 to i32
      %cond3A_683 = arith.constant 0 : i32
      %cond3A_684 = arith.cmpi ne, %convert_element_type3A_682, %cond3A_683 : i32
      scf.if %cond3A_684 {
        %add3A_685 = arith.constant 5 : i32
        %add3A_686 = arith.addi %add3A_637, %add3A_685 : i32
        %dma_start3A_687 = arith.constant 4 : i32
        %dma_start3A_688 = arith.constant 4 : i32
        %dma_start3A_689 = arith.constant 0 : i32
        %dma_start3A_690 = arith.constant 0 : i32
        %dma_start3A_691 = tpu.memref_slice %arg6[%dma_start3A_687, %dma_start3A_689, %dma_start3A_690] : memref<5x128x64xf32, #tpu.memory_space<vmem>> -> memref<1x128x64xf32, #tpu.memory_space<vmem>>
        %dma_start3A_692 = tpu.memref_squeeze %dma_start3A_691 : memref<1x128x64xf32, #tpu.memory_space<vmem>> -> memref<128x64xf32, #tpu.memory_space<vmem>>
        %dma_start3A_693 = arith.constant 0 : i32
        %dma_start3A_694 = tpu.memref_slice %arg5[%add3A_686, %dma_start3A_693] : memref<200x128xi32, #tpu.memory_space<vmem>> -> memref<1x128xi32, #tpu.memory_space<vmem>>
        %dma_start3A_695 = tpu.memref_squeeze %dma_start3A_694 : memref<1x128xi32, #tpu.memory_space<vmem>> -> memref<128xi32, #tpu.memory_space<vmem>>
        %dma_start3A_696 = arith.constant 0 : i32
        %dma_start3A_697 = arith.constant 0 : i32
        %dma_start3A_698 = tpu.memref_slice %arg3[%dma_start3A_696, %dma_start3A_697] : memref<100000x64xf32, #tpu.memory_space<hbm>> -> memref<100000x64xf32, #tpu.memory_space<hbm>>
        %dma_start3A_699 = tpu.memref_slice %arg8[%dma_start3A_688] : memref<5x!tpu.dma_semaphore, #tpu.memory_space<semaphore_mem>> -> memref<1x!tpu.dma_semaphore, #tpu.memory_space<semaphore_mem>>
        %dma_start3A_700 = tpu.memref_squeeze %dma_start3A_699 : memref<1x!tpu.dma_semaphore, #tpu.memory_space<semaphore_mem>> -> memref<!tpu.dma_semaphore, #tpu.memory_space<semaphore_mem>>
        tpu.enqueue_indirect_dma source(%dma_start3A_698 : memref<100000x64xf32, #tpu.memory_space<hbm>>) target(%dma_start3A_692 : memref<128x64xf32, #tpu.memory_space<vmem>>) offsets(%dma_start3A_695 : memref<128xi32, #tpu.memory_space<vmem>>) semaphore(%dma_start3A_700 : memref<!tpu.dma_semaphore, #tpu.memory_space<semaphore_mem>>)
      } else {
      }
    }
    %scan3A_335 = arith.constant 40 : i32
    %dma_wait3A = arith.constant 0 : i32
    %dma_wait3A_336 = arith.constant 195 : i32
    %dma_wait3A_337 = arith.constant 0 : i32
    %dma_wait3A_338 = arith.constant 0 : i32
    %dma_wait3A_339 = arith.constant 0 : i32
    %dma_wait3A_340 = tpu.memref_slice %arg7[%dma_wait3A, %dma_wait3A_338, %dma_wait3A_339] : memref<5x8x1024xf32, #tpu.memory_space<vmem>> -> memref<1x8x1024xf32, #tpu.memory_space<vmem>>
    %dma_wait3A_341 = tpu.memref_squeeze %dma_wait3A_340 : memref<1x8x1024xf32, #tpu.memory_space<vmem>> -> memref<8x1024xf32, #tpu.memory_space<vmem>>
    %dma_wait3A_342 = arith.constant 0 : i32
    %dma_wait3A_343 = arith.constant 0 : i32
    %dma_wait3A_344 = tpu.memref_slice %arg4[%dma_wait3A_336, %dma_wait3A_342, %add3A, %dma_wait3A_343] : memref<200x8x32x1024xf32, #tpu.memory_space<hbm>> -> memref<1x8x1x1024xf32, #tpu.memory_space<hbm>>
    %dma_wait3A_345 = tpu.memref_squeeze %dma_wait3A_344 : memref<1x8x1x1024xf32, #tpu.memory_space<hbm>> -> memref<8x1024xf32, #tpu.memory_space<hbm>>
    %dma_wait3A_346 = tpu.memref_slice %arg9[%dma_wait3A_337] : memref<5x!tpu.dma_semaphore, #tpu.memory_space<semaphore_mem>> -> memref<1x!tpu.dma_semaphore, #tpu.memory_space<semaphore_mem>>
    %dma_wait3A_347 = tpu.memref_squeeze %dma_wait3A_346 : memref<1x!tpu.dma_semaphore, #tpu.memory_space<semaphore_mem>> -> memref<!tpu.dma_semaphore, #tpu.memory_space<semaphore_mem>>
    %dma_wait3A_348 = arith.constant 0 : i32
    %dma_wait3A_349 = arith.constant 0 : i32
    %dma_wait3A_350 = tpu.memref_slice %arg4[%dma_wait3A_336, %dma_wait3A_348, %add3A, %dma_wait3A_349] : memref<200x8x32x1024xf32, #tpu.memory_space<hbm>> -> memref<1x8x1x1024xf32, #tpu.memory_space<hbm>>
    %dma_wait3A_351 = tpu.memref_squeeze %dma_wait3A_350 : memref<1x8x1x1024xf32, #tpu.memory_space<hbm>> -> memref<8x1024xf32, #tpu.memory_space<hbm>>
    %dma_wait3A_352 = arith.constant 0 : i32
    %dma_wait3A_353 = arith.constant 0 : i32
    %dma_wait3A_354 = tpu.memref_slice %arg7[%dma_wait3A, %dma_wait3A_352, %dma_wait3A_353] : memref<5x8x1024xf32, #tpu.memory_space<vmem>> -> memref<1x8x1024xf32, #tpu.memory_space<vmem>>
    %dma_wait3A_355 = tpu.memref_squeeze %dma_wait3A_354 : memref<1x8x1024xf32, #tpu.memory_space<vmem>> -> memref<8x1024xf32, #tpu.memory_space<vmem>>
    tpu.wait_dma2 semaphore(%dma_wait3A_347 : memref<!tpu.dma_semaphore, #tpu.memory_space<semaphore_mem>>) src(%dma_wait3A_355 : memref<8x1024xf32, #tpu.memory_space<vmem>>) dst(%dma_wait3A_351 : memref<8x1024xf32, #tpu.memory_space<hbm>>)
    %dma_wait3A_356 = arith.constant 1 : i32
    %dma_wait3A_357 = arith.constant 196 : i32
    %dma_wait3A_358 = arith.constant 1 : i32
    %dma_wait3A_359 = arith.constant 0 : i32
    %dma_wait3A_360 = arith.constant 0 : i32
    %dma_wait3A_361 = tpu.memref_slice %arg7[%dma_wait3A_356, %dma_wait3A_359, %dma_wait3A_360] : memref<5x8x1024xf32, #tpu.memory_space<vmem>> -> memref<1x8x1024xf32, #tpu.memory_space<vmem>>
    %dma_wait3A_362 = tpu.memref_squeeze %dma_wait3A_361 : memref<1x8x1024xf32, #tpu.memory_space<vmem>> -> memref<8x1024xf32, #tpu.memory_space<vmem>>
    %dma_wait3A_363 = arith.constant 0 : i32
    %dma_wait3A_364 = arith.constant 0 : i32
    %dma_wait3A_365 = tpu.memref_slice %arg4[%dma_wait3A_357, %dma_wait3A_363, %add3A, %dma_wait3A_364] : memref<200x8x32x1024xf32, #tpu.memory_space<hbm>> -> memref<1x8x1x1024xf32, #tpu.memory_space<hbm>>
    %dma_wait3A_366 = tpu.memref_squeeze %dma_wait3A_365 : memref<1x8x1x1024xf32, #tpu.memory_space<hbm>> -> memref<8x1024xf32, #tpu.memory_space<hbm>>
    %dma_wait3A_367 = tpu.memref_slice %arg9[%dma_wait3A_358] : memref<5x!tpu.dma_semaphore, #tpu.memory_space<semaphore_mem>> -> memref<1x!tpu.dma_semaphore, #tpu.memory_space<semaphore_mem>>
    %dma_wait3A_368 = tpu.memref_squeeze %dma_wait3A_367 : memref<1x!tpu.dma_semaphore, #tpu.memory_space<semaphore_mem>> -> memref<!tpu.dma_semaphore, #tpu.memory_space<semaphore_mem>>
    %dma_wait3A_369 = arith.constant 0 : i32
    %dma_wait3A_370 = arith.constant 0 : i32
    %dma_wait3A_371 = tpu.memref_slice %arg4[%dma_wait3A_357, %dma_wait3A_369, %add3A, %dma_wait3A_370] : memref<200x8x32x1024xf32, #tpu.memory_space<hbm>> -> memref<1x8x1x1024xf32, #tpu.memory_space<hbm>>
    %dma_wait3A_372 = tpu.memref_squeeze %dma_wait3A_371 : memref<1x8x1x1024xf32, #tpu.memory_space<hbm>> -> memref<8x1024xf32, #tpu.memory_space<hbm>>
    %dma_wait3A_373 = arith.constant 0 : i32
    %dma_wait3A_374 = arith.constant 0 : i32
    %dma_wait3A_375 = tpu.memref_slice %arg7[%dma_wait3A_356, %dma_wait3A_373, %dma_wait3A_374] : memref<5x8x1024xf32, #tpu.memory_space<vmem>> -> memref<1x8x1024xf32, #tpu.memory_space<vmem>>
    %dma_wait3A_376 = tpu.memref_squeeze %dma_wait3A_375 : memref<1x8x1024xf32, #tpu.memory_space<vmem>> -> memref<8x1024xf32, #tpu.memory_space<vmem>>
    tpu.wait_dma2 semaphore(%dma_wait3A_368 : memref<!tpu.dma_semaphore, #tpu.memory_space<semaphore_mem>>) src(%dma_wait3A_376 : memref<8x1024xf32, #tpu.memory_space<vmem>>) dst(%dma_wait3A_372 : memref<8x1024xf32, #tpu.memory_space<hbm>>)
    %dma_wait3A_377 = arith.constant 2 : i32
    %dma_wait3A_378 = arith.constant 197 : i32
    %dma_wait3A_379 = arith.constant 2 : i32
    %dma_wait3A_380 = arith.constant 0 : i32
    %dma_wait3A_381 = arith.constant 0 : i32
    %dma_wait3A_382 = tpu.memref_slice %arg7[%dma_wait3A_377, %dma_wait3A_380, %dma_wait3A_381] : memref<5x8x1024xf32, #tpu.memory_space<vmem>> -> memref<1x8x1024xf32, #tpu.memory_space<vmem>>
    %dma_wait3A_383 = tpu.memref_squeeze %dma_wait3A_382 : memref<1x8x1024xf32, #tpu.memory_space<vmem>> -> memref<8x1024xf32, #tpu.memory_space<vmem>>
    %dma_wait3A_384 = arith.constant 0 : i32
    %dma_wait3A_385 = arith.constant 0 : i32
    %dma_wait3A_386 = tpu.memref_slice %arg4[%dma_wait3A_378, %dma_wait3A_384, %add3A, %dma_wait3A_385] : memref<200x8x32x1024xf32, #tpu.memory_space<hbm>> -> memref<1x8x1x1024xf32, #tpu.memory_space<hbm>>
    %dma_wait3A_387 = tpu.memref_squeeze %dma_wait3A_386 : memref<1x8x1x1024xf32, #tpu.memory_space<hbm>> -> memref<8x1024xf32, #tpu.memory_space<hbm>>
    %dma_wait3A_388 = tpu.memref_slice %arg9[%dma_wait3A_379] : memref<5x!tpu.dma_semaphore, #tpu.memory_space<semaphore_mem>> -> memref<1x!tpu.dma_semaphore, #tpu.memory_space<semaphore_mem>>
    %dma_wait3A_389 = tpu.memref_squeeze %dma_wait3A_388 : memref<1x!tpu.dma_semaphore, #tpu.memory_space<semaphore_mem>> -> memref<!tpu.dma_semaphore, #tpu.memory_space<semaphore_mem>>
    %dma_wait3A_390 = arith.constant 0 : i32
    %dma_wait3A_391 = arith.constant 0 : i32
    %dma_wait3A_392 = tpu.memref_slice %arg4[%dma_wait3A_378, %dma_wait3A_390, %add3A, %dma_wait3A_391] : memref<200x8x32x1024xf32, #tpu.memory_space<hbm>> -> memref<1x8x1x1024xf32, #tpu.memory_space<hbm>>
    %dma_wait3A_393 = tpu.memref_squeeze %dma_wait3A_392 : memref<1x8x1x1024xf32, #tpu.memory_space<hbm>> -> memref<8x1024xf32, #tpu.memory_space<hbm>>
    %dma_wait3A_394 = arith.constant 0 : i32
    %dma_wait3A_395 = arith.constant 0 : i32
    %dma_wait3A_396 = tpu.memref_slice %arg7[%dma_wait3A_377, %dma_wait3A_394, %dma_wait3A_395] : memref<5x8x1024xf32, #tpu.memory_space<vmem>> -> memref<1x8x1024xf32, #tpu.memory_space<vmem>>
    %dma_wait3A_397 = tpu.memref_squeeze %dma_wait3A_396 : memref<1x8x1024xf32, #tpu.memory_space<vmem>> -> memref<8x1024xf32, #tpu.memory_space<vmem>>
    tpu.wait_dma2 semaphore(%dma_wait3A_389 : memref<!tpu.dma_semaphore, #tpu.memory_space<semaphore_mem>>) src(%dma_wait3A_397 : memref<8x1024xf32, #tpu.memory_space<vmem>>) dst(%dma_wait3A_393 : memref<8x1024xf32, #tpu.memory_space<hbm>>)
    %dma_wait3A_398 = arith.constant 3 : i32
    %dma_wait3A_399 = arith.constant 198 : i32
    %dma_wait3A_400 = arith.constant 3 : i32
    %dma_wait3A_401 = arith.constant 0 : i32
    %dma_wait3A_402 = arith.constant 0 : i32
    %dma_wait3A_403 = tpu.memref_slice %arg7[%dma_wait3A_398, %dma_wait3A_401, %dma_wait3A_402] : memref<5x8x1024xf32, #tpu.memory_space<vmem>> -> memref<1x8x1024xf32, #tpu.memory_space<vmem>>
    %dma_wait3A_404 = tpu.memref_squeeze %dma_wait3A_403 : memref<1x8x1024xf32, #tpu.memory_space<vmem>> -> memref<8x1024xf32, #tpu.memory_space<vmem>>
    %dma_wait3A_405 = arith.constant 0 : i32
    %dma_wait3A_406 = arith.constant 0 : i32
    %dma_wait3A_407 = tpu.memref_slice %arg4[%dma_wait3A_399, %dma_wait3A_405, %add3A, %dma_wait3A_406] : memref<200x8x32x1024xf32, #tpu.memory_space<hbm>> -> memref<1x8x1x1024xf32, #tpu.memory_space<hbm>>
    %dma_wait3A_408 = tpu.memref_squeeze %dma_wait3A_407 : memref<1x8x1x1024xf32, #tpu.memory_space<hbm>> -> memref<8x1024xf32, #tpu.memory_space<hbm>>
    %dma_wait3A_409 = tpu.memref_slice %arg9[%dma_wait3A_400] : memref<5x!tpu.dma_semaphore, #tpu.memory_space<semaphore_mem>> -> memref<1x!tpu.dma_semaphore, #tpu.memory_space<semaphore_mem>>
    %dma_wait3A_410 = tpu.memref_squeeze %dma_wait3A_409 : memref<1x!tpu.dma_semaphore, #tpu.memory_space<semaphore_mem>> -> memref<!tpu.dma_semaphore, #tpu.memory_space<semaphore_mem>>
    %dma_wait3A_411 = arith.constant 0 : i32
    %dma_wait3A_412 = arith.constant 0 : i32
    %dma_wait3A_413 = tpu.memref_slice %arg4[%dma_wait3A_399, %dma_wait3A_411, %add3A, %dma_wait3A_412] : memref<200x8x32x1024xf32, #tpu.memory_space<hbm>> -> memref<1x8x1x1024xf32, #tpu.memory_space<hbm>>
    %dma_wait3A_414 = tpu.memref_squeeze %dma_wait3A_413 : memref<1x8x1x1024xf32, #tpu.memory_space<hbm>> -> memref<8x1024xf32, #tpu.memory_space<hbm>>
    %dma_wait3A_415 = arith.constant 0 : i32
    %dma_wait3A_416 = arith.constant 0 : i32
    %dma_wait3A_417 = tpu.memref_slice %arg7[%dma_wait3A_398, %dma_wait3A_415, %dma_wait3A_416] : memref<5x8x1024xf32, #tpu.memory_space<vmem>> -> memref<1x8x1024xf32, #tpu.memory_space<vmem>>
    %dma_wait3A_418 = tpu.memref_squeeze %dma_wait3A_417 : memref<1x8x1024xf32, #tpu.memory_space<vmem>> -> memref<8x1024xf32, #tpu.memory_space<vmem>>
    tpu.wait_dma2 semaphore(%dma_wait3A_410 : memref<!tpu.dma_semaphore, #tpu.memory_space<semaphore_mem>>) src(%dma_wait3A_418 : memref<8x1024xf32, #tpu.memory_space<vmem>>) dst(%dma_wait3A_414 : memref<8x1024xf32, #tpu.memory_space<hbm>>)
    %dma_wait3A_419 = arith.constant 4 : i32
    %dma_wait3A_420 = arith.constant 199 : i32
    %dma_wait3A_421 = arith.constant 4 : i32
    %dma_wait3A_422 = arith.constant 0 : i32
    %dma_wait3A_423 = arith.constant 0 : i32
    %dma_wait3A_424 = tpu.memref_slice %arg7[%dma_wait3A_419, %dma_wait3A_422, %dma_wait3A_423] : memref<5x8x1024xf32, #tpu.memory_space<vmem>> -> memref<1x8x1024xf32, #tpu.memory_space<vmem>>
    %dma_wait3A_425 = tpu.memref_squeeze %dma_wait3A_424 : memref<1x8x1024xf32, #tpu.memory_space<vmem>> -> memref<8x1024xf32, #tpu.memory_space<vmem>>
    %dma_wait3A_426 = arith.constant 0 : i32
    %dma_wait3A_427 = arith.constant 0 : i32
    %dma_wait3A_428 = tpu.memref_slice %arg4[%dma_wait3A_420, %dma_wait3A_426, %add3A, %dma_wait3A_427] : memref<200x8x32x1024xf32, #tpu.memory_space<hbm>> -> memref<1x8x1x1024xf32, #tpu.memory_space<hbm>>
    %dma_wait3A_429 = tpu.memref_squeeze %dma_wait3A_428 : memref<1x8x1x1024xf32, #tpu.memory_space<hbm>> -> memref<8x1024xf32, #tpu.memory_space<hbm>>
    %dma_wait3A_430 = tpu.memref_slice %arg9[%dma_wait3A_421] : memref<5x!tpu.dma_semaphore, #tpu.memory_space<semaphore_mem>> -> memref<1x!tpu.dma_semaphore, #tpu.memory_space<semaphore_mem>>
    %dma_wait3A_431 = tpu.memref_squeeze %dma_wait3A_430 : memref<1x!tpu.dma_semaphore, #tpu.memory_space<semaphore_mem>> -> memref<!tpu.dma_semaphore, #tpu.memory_space<semaphore_mem>>
    %dma_wait3A_432 = arith.constant 0 : i32
    %dma_wait3A_433 = arith.constant 0 : i32
    %dma_wait3A_434 = tpu.memref_slice %arg4[%dma_wait3A_420, %dma_wait3A_432, %add3A, %dma_wait3A_433] : memref<200x8x32x1024xf32, #tpu.memory_space<hbm>> -> memref<1x8x1x1024xf32, #tpu.memory_space<hbm>>
    %dma_wait3A_435 = tpu.memref_squeeze %dma_wait3A_434 : memref<1x8x1x1024xf32, #tpu.memory_space<hbm>> -> memref<8x1024xf32, #tpu.memory_space<hbm>>
    %dma_wait3A_436 = arith.constant 0 : i32
    %dma_wait3A_437 = arith.constant 0 : i32
    %dma_wait3A_438 = tpu.memref_slice %arg7[%dma_wait3A_419, %dma_wait3A_436, %dma_wait3A_437] : memref<5x8x1024xf32, #tpu.memory_space<vmem>> -> memref<1x8x1024xf32, #tpu.memory_space<vmem>>
    %dma_wait3A_439 = tpu.memref_squeeze %dma_wait3A_438 : memref<1x8x1024xf32, #tpu.memory_space<vmem>> -> memref<8x1024xf32, #tpu.memory_space<vmem>>
    tpu.wait_dma2 semaphore(%dma_wait3A_431 : memref<!tpu.dma_semaphore, #tpu.memory_space<semaphore_mem>>) src(%dma_wait3A_439 : memref<8x1024xf32, #tpu.memory_space<vmem>>) dst(%dma_wait3A_435 : memref<8x1024xf32, #tpu.memory_space<hbm>>)
    return
  }
}

</mosaic_0001>

<sc_bundles>
// kernel: kernel.3.cloned.1.call-start
scs
__scs_entry_jumppad:
0x0: {  	(pc) =	sbr.rel $0x88, $3  }
0x1: {  	(tag) =	ssettag $0x0;
	lr =	simm.s32 $0x1  }
0x2: {  	[smem:$0x3F9F] =	sst lr;
	_ =	strace $0xD0000000  }
0x3: {  	_ = 	snop  }
0x4: {  	_ = 	snop  }
0x5: {  	_ = 	snop  }
0x6: {  	_ = 	snop  }
0x7: {  	_ = 	snop  }
__scs_overlays_trampoline_lowered:
0x8: {  	[smem:$0x3FAE] =	sst s0  }
0x9: {  	[smem:$0x3FAF] =	sst s1  }
0xa: {  	[smem:$0x3FB0] =	sst s2  }
0xb: {  	[smem:$0x3FB1] =	sst s3  }
0xc: {  	[smem:$0x3FB2] =	sst s4  }
0xd: {  	[smem:$0x3FB3] =	sst s5  }
0xe: {  	[smem:$0x3FB4] =	sst s6  }
0xf: {  	[smem:$0x3FB5] =	sst s7  }
0x10: {  	[smem:$0x3FB6] =	sst s8  }
0x11: {  	[smem:$0x3FB7] =	sst s9;
	s0 =	simm.s32 @!p0 $0x0  }
0x12: {  	s1 =	sld [smem:$0x3F9D];
	s0 =	simm.s32 @p0 $0x1  }
0x13: {  	[smem:$0x3FB8] =	sst s0;
	s0 =	simm.s32 @!p1 $0x0  }
0x14: {  	s2 =	sld [smem:$0x3F9C];
	s0 =	simm.s32 @p1 $0x1  }
0x15: {  	[smem:$0x3FB9] =	sst s0;
	s0 =	simm.s32 @!p2 $0x0  }
0x16: {  	s3 =	sld [smem:$0x3FDB];
	s0 =	simm.s32 @p2 $0x1  }
0x17: {  	s4 =	simm.s32 $0x1BF5;
	[smem:$0x3FBB] =	sst s0  }
0x18: {  	s0 =	sld [smem:$0x3F9E];
	_ =	swait.ge [sflag:s4], $0x0  }
0x19: {  	s7 =	sld [smem:$0x3F9F]  }
0x1a: {  	s8 =	sadd.s32 $0xFFFFE003, lr  }
0x1b: {  	s9 =	sadd.s32 $0xFFFFFEF7, lr;
	s5 =	simm.s32 $0xFFFFFFFF;
	p2 =	slt.u32 s8, $0xFFFFF086  }
0x1c: {  	p1 =	slt.u32 s9, $0xF7A;
	s5 =	simm.s32 @!p2 $0x0  }
0x1d: {  	s5 =	simm.s32 @p1 $0x1;
	p0 =	seq.s32 s7, s2  }
0x1e: {  	s7 =	smul.u32 @!p0 $0xF7A, s2;
	p2 =	seq.s32 @!p0 s5, $0x0  }
0x1f: {  	s9 =	smul.u32 $0xF7A, s1;
	s8 =	simm.s32 @!p0 $0x1BF5;
	p2 =	por !p2, p0  }
0x20: {  	[sflag:s8] =	ssyncset.s32 @!p0 $0xFFFFF086;
	s6 =	sadd.s32 @!p0 s3, s7;
	s7 =	simm.s32 @!p0 $0x108  }
0x21: {  	s3 =	sadd.s32 s3, s9;
	s6 =	sadd.s32 @!p0 $0x88, s6;
	s7 =	simm.s32 @p2 $0x1082  }
0x22: {  	[simem:s7], [sflag:s8] =	dma.local @!p0 [hbm:s6], $0xF7A  }
0x23: {  	s9 =	sor.u32 $0xD0000000, s2;
	s6 =	simm.s32 $0x108;
	_ =	swait.ge @!p0 [sflag:s8], $0x0  }
0x24: {  	s3 =	sadd.s32 $0x88, s3;
	s6 =	simm.s32 @!p1 $0x1082;
	[sflag:s4] =	ssyncset.s32 $0xFFFFF086  }
0x25: {  	[simem:s6], [sflag:s4] =	dma.local [hbm:s3], $0xF7A  }
0x26: {  	[smem:$0x3F9F] =	sst s1;
	(tag) =	ssettag s2;
	_ =	strace s9  }
0x27: {  	s1 =	sld [smem:$0x3FAF]  }
0x28: {  	s2 =	sld [smem:$0x3FB0]  }
0x29: {  	s4 =	sld [smem:$0x3FB2]  }
0x2a: {  	p0 =	seq.s32 s5, $0x0;
	s5 =	sld [smem:$0x3FB3]  }
0x2b: {  	s6 =	sld [smem:$0x3FB4]  }
0x2c: {  	s7 =	sld [smem:$0x3FB5]  }
0x2d: {  	s3 =	simm.s32 $0x108;
	s8 =	sld [smem:$0x3FB6]  }
0x2e: {  	s3 =	simm.s32 @!p0 $0x1082;
	s9 =	sld [smem:$0x3FB7]  }
0x2f: {  	lr =	sadd.s32 s0, s3;
	s0 =	sld [smem:$0x3FAE]  }
0x30: {  	s3 =	sld [smem:$0x3FB1]  }
0x31: {  	[smem:$0x3FBA] =	sst s10  }
0x32: {  	s10 =	sld [smem:$0x3FB8];
	_ =	sdelay $0x3  }
0x33: {  	p0 =	seq.s32 s10, $0x1;
	s10 =	sld [smem:$0x3FBA];
	_ =	sdelay $0x3  }
0x34: {  	[smem:$0x3FBA] =	sst s10  }
0x35: {  	s10 =	sld [smem:$0x3FB9];
	_ =	sdelay $0x3  }
0x36: {  	p1 =	seq.s32 s10, $0x1;
	s10 =	sld [smem:$0x3FBA];
	_ =	sdelay $0x3  }
0x37: {  	[smem:$0x3FBA] =	sst s10  }
0x38: {  	s10 =	sld [smem:$0x3FBB]  }
0x39: {  	_ = 	snop;
	(pc) =	sbr.ind lr, $3  }
0x3a: {  	_ = 	snop  }
0x3b: {  	_ = 	snop  }
0x3c: {  	p2 =	seq.s32 s10, $0x1;
	s10 =	sld [smem:$0x3FBA]  }
0x3d: {  	_ =	shalt  }
0x3e: {  	_ =	shalt  }
0x3f: {  	_ =	shalt  }
0x40: {  	_ =	shalt  }
0x41: {  	_ =	shalt  }
0x42: {  	_ =	shalt  }
0x43: {  	_ =	shalt  }
0x44: {  	_ =	shalt  }
0x45: {  	_ =	shalt  }
0x46: {  	_ =	shalt  }
0x47: {  	_ =	shalt  }
0x48: {  	_ =	shalt  }
0x49: {  	_ =	shalt  }
0x4a: {  	_ =	shalt  }
0x4b: {  	_ =	shalt  }
0x4c: {  	_ =	shalt  }
0x4d: {  	_ =	shalt  }
0x4e: {  	_ =	shalt  }
0x4f: {  	_ =	shalt  }
0x50: {  	_ =	shalt  }
0x51: {  	_ =	shalt  }
0x52: {  	_ =	shalt  }
0x53: {  	_ =	shalt  }
0x54: {  	_ =	shalt  }
0x55: {  	_ =	shalt  }
0x56: {  	_ =	shalt  }
0x57: {  	_ =	shalt  }
0x58: {  	_ =	shalt  }
0x59: {  	_ =	shalt  }
0x5a: {  	_ =	shalt  }
0x5b: {  	_ =	shalt  }
0x5c: {  	_ =	shalt  }
0x5d: {  	_ =	shalt  }
0x5e: {  	_ =	shalt  }
0x5f: {  	_ =	shalt  }
0x60: {  	_ =	shalt  }
0x61: {  	_ =	shalt  }
0x62: {  	_ =	shalt  }
0x63: {  	_ =	shalt  }
0x64: {  	_ =	shalt  }
0x65: {  	_ =	shalt  }
0x66: {  	_ =	shalt  }
0x67: {  	_ =	shalt  }
0x68: {  	_ =	shalt  }
0x69: {  	_ =	shalt  }
0x6a: {  	_ =	shalt  }
0x6b: {  	_ =	shalt  }
0x6c: {  	_ =	shalt  }
0x6d: {  	_ =	shalt  }
0x6e: {  	_ =	shalt  }
0x6f: {  	_ =	shalt  }
0x70: {  	_ =	shalt  }
0x71: {  	_ =	shalt  }
0x72: {  	_ =	shalt  }
0x73: {  	_ =	shalt  }
0x74: {  	_ =	shalt  }
0x75: {  	_ =	shalt  }
0x76: {  	_ =	shalt  }
0x77: {  	_ =	shalt  }
0x78: {  	_ =	shalt  }
0x79: {  	_ =	shalt  }
0x7a: {  	_ =	shalt  }
0x7b: {  	_ =	shalt  }
0x7c: {  	_ =	shalt  }
0x7d: {  	_ =	shalt  }
0x7e: {  	_ =	shalt  }
0x7f: {  	_ =	shalt  }
0x80: {  	_ =	shalt  }
0x81: {  	_ =	shalt  }
0x82: {  	_ =	shalt  }
0x83: {  	_ =	shalt  }
0x84: {  	_ =	shalt  }
0x85: {  	_ =	shalt  }
0x86: {  	_ =	shalt  }
0x87: {  	_ =	shalt  }
.Lfunc_end0:
.L_simem_size_0:
called_computation_lowered:
.L_overlay_start_0:
0x88: {  	s2 =	sld [smem:$0x3FD9]  }
0x89: {  	s3 =	sld [smem:$0x3FFE];
	_ =	sdelay $0x1  }
0x8a: {  	s1 =	srdreg.scid  }
0x8b: {  	s0 =	sand.u32 $0x1, s1  }
0x8c: {  	s17 =	sshll.u32 s0, $0xA;
	s2 =	sadd.s32 s3, s2  }
0x8d: {  	s2 =	sadd.s32 s2, s17  }
0x8e: {  	[smem:$0x3FC6] =	sst s2  }
0x8f: {  	_ = 	snop  }
0x90: {  	s2 =	sld [smem:$0x3FD0];
	(tm) =	ssettm $0x1  }
0x91: {  	s18 =	sld [smem:$0x3FFB];
	_ =	sdelay $0x3  }
0x92: {  	_ =	strace s18  }
0x93: {  	s3 =	sld [smem:$0x3FFC];
	_ =	sdelay $0x3  }
0x94: {  	_ =	strace s3  }
0x95: {  	s3 =	sld [smem:$0x3FFD];
	_ =	sdelay $0x3  }
0x96: {  	_ =	strace s3  }
0x97: {  	_ =	strace $0x8FFFFFFF  }
0x98: {  	s19 =	sld [smem:$0x3FDB];
	_ =	sdelay $0x1  }
0x99: {  	s4 =	simm.s32 $_scs_section_size  }
0x9a: {  	s5 =	simm.s32 $_size__tile_overlayer_lowered;
	s6 =	simm.s32 $_tile_overlayer_lowered  }
0x9b: {  	s22 =	simm.s32 $0x1BFF;
	s21 =	sshll.u32 s6, $0x1;
	s3 =	sadd.s32 s4, s19  }
0x9c: {  	s7 =	simm.s32 $0x0;
	s20 =	sshll.u32 s5, $0x1;
	s5 =	sadd.s32 s21, s3  }
0x9d: {  	[timem:s7], [sflag:s22] =	dma.local [hbm:s5], s20  }
0x9e: {  	_ =	swait.ge [sflag:s22], s20  }
0x9f: {  	s4 =	ssub.s32 $0x0, s20;
	[sflag:s22] =	ssyncset.done $0x0  }
0xa0: {  	[sflag:s22] =	ssyncadd.s32 s4;
	_ =	sdelay $0x1  }
0xa1: {  	s23 =	simm.s32 $0x1B8B  }
0xa2: {  	_ =	swait.ge [sflag:s23], $0x1  }
0xa3: {  	[sflag:s23] =	ssyncset.done $0x0  }
0xa4: {  	s25 =	simm.s32 $0x1B8E;
	s24 =	sld [smem:$0x3FFE];
	[sflag:s23] =	ssyncadd.s32 $0xFFFFFFFF  }
0xa5: {  	s26 =	simm.s32 $execute0_lowered;
	[smem:$0x3FD2] =	sst s25  }
0xa6: {  	s5 =	sshll.u32 s26, $0x1;
	_ =	strace $0x80000046;
	[dreg:$0x1] =	wrdreg $0xFFFFFFFF  }
0xa7: {  	s28 =	simm.s32 $_size_execute0_lowered;
	s3 =	sadd.s32 s3, s5;
	[dreg:$0x0] =	wrdreg $0x0  }
0xa8: {  	s5 =	sshll.u32 s28, $0x1;
	[dreg:$0x2] =	wrdreg s3  }
0xa9: {  	[dreg:$0x3] =	wrdreg s5  }
0xaa: {  	[dreg:$0x4] =	wrdreg $0xC0  }
0xab: {  	_ =	task [dreg:s7], $0x5FFFF  }
0xac: {  	[dreg:$0x1] =	wrdreg $0xFFFFFFFF  }
0xad: {  	[dreg:$0x0] =	wrdreg $0x60  }
0xae: {  	[dreg:$0x2] =	wrdreg s24  }
0xaf: {  	[dreg:$0x3] =	wrdreg s2  }
0xb0: {  	[dreg:$0x4] =	wrdreg $0x9  }
0xb1: {  	_ =	task.clear_ibuf [dreg:s7], $0x5FFFF;
	_ =	strace $0x90000046  }
0xb2: {  	s29 =	simm.s32 $0x9;
	_ =	strace $0x80000048  }
0xb3: {  	_ =	swait.ge [sflag:s29], $0x1  }
0xb4: {  	[sflag:s29] =	ssyncadd.s32 $0xFFFFFFFF  }
0xb5: {  	_ =	strace $0x90000048  }
0xb6: {  	_ =	sfence  }
0xb7: {  	s30 =	sld [smem:$0x0];
	_ =	sdelay $0x2  }
0xb8: {  	s31 =	sshll.u32 s1, $0xD;
	s1 =	sshrl.u32 s1, $0x2  }
0xb9: {  	s3 =	sand.u32 $0x4000, s31;
	s1 =	sadd.s32 s1, s30  }
0xba: {  	s0 =	sor.u32 s3, s0;
	s1 =	sshll.u32 s1, $0x11  }
0xbb: {  	s0 =	sor.u32 s1, s0  }
0xbc: {  	s0 =	sadd.s32 $0x8F2B, s0  }
0xbd: {  	[sflag:s0] =	ssyncadd.remote.s32 $0x1  }
0xbe: {  	_ =	sfence.sel $0xFFFF  }
0xbf: {  	[dreg:$0x0] =	wrdreg $0xFFFFFFFF;
	(pc) =	sbr.abs _section_cstart, $3  }
0xc0: {  	[dreg:$0x1] =	wrdreg $0xFFFFFFFF  }
0xc1: {  	_ =	task.clear_ibuf [dreg:s7], $0x2FFFF;
	_ =	strace $0x9FFFFFFF  }
0xc2: {  	(tm) =	ssettm $0x7FFFFFFF  }
0xc3: {  	_ =	shalt  }
tec
execute0_lowered:
.L_overlay_start_1:
0x0: {  	(tag) =	ssettag $0x1  }
0x1: {  	vm0 =	vcmask $0x300;
	v13 =	vimm.s32 $0x388  }
0x2: {  	v14 =	vimm.s32 $0x400;
	vm1 =	vcmask $0x2304;
	v15 =	vimm.s32 $0x0  }
0x3: {  	vm8 =	vcmask $0x2708;
	vm9 =	vcmask $0x2B0C;
	vm10 =	vcmask $0x2F10  }
0x4: {  	vm11 =	vcmask $0x3314;
	vm12 =	vcmask $0x3718;
	vm13 =	vcmask $0x3B1C  }
0x5: {  	v63 =	vlaneseq.u32;
	vm14 =	vcmask $0x704;
	v17 =	vimm.s32 $0x88  }
0x6: {  	v18 =	vimm.s32 $0x108;
	v19 =	vimm.s32 $0x188;
	v20 =	vimm.s32 $0x208  }
0x7: {  	v21 =	vimm.s32 $0x288;
	v22 =	vimm.s32 $0x308;
	vm15 =	vcmask $0xB08  }
0x8: {  	vm4 =	vcmask $0xF0C;
	vm5 =	vcmask $0x1310;
	vm6 =	vcmask $0x1714  }
0x9: {  	vm7 =	vcmask $0x1B18;
	v26 =	vimm.s32 $0xFEDCBA9;
	v28 =	vimm.s32 $0x87654321  }
0xa: {  	v29 =	vimm.s32 $0x98765432;
	v30 =	vimm.s32 $0x210FEDCB;
	v31 =	vimm.s32 $0xA9876543  }
0xb: {  	v41 =	vimm.s32 $0xCBA98765;
	v43 =	vimm.s32 $0x6543210F;
	v44 =	vimm.s32 $0xEDCBA987  }
0xc: {  	v45 =	vimm.s32 $0xFEDCBA98;
	v46 =	vimm.s32 $0x76543210;
	v0 =	vsel vm1, $0x0, v14  }
0xd: {  	v1 =	vsel vm1, $0x400, v15;
	v2 =	vsel vm8, $0x0, v14;
	v3 =	vsel vm8, $0x400, v15  }
0xe: {  	v4 =	vsel vm9, $0x0, v14;
	v5 =	vsel vm9, $0x400, v15;
	v6 =	vsel vm10, $0x0, v14  }
0xf: {  	v7 =	vsel vm10, $0x400, v15;
	v8 =	vsel vm11, $0x0, v14;
	v9 =	vsel vm11, $0x400, v15  }
0x10: {  	v10 =	vsel vm12, $0x0, v14;
	v11 =	vsel vm12, $0x400, v15;
	v16 =	vsel vm0, $0x0, v13  }
0x11: {  	v13 =	vsel vm13, $0x0, v14;
	v14 =	vsel vm13, $0x400, v15;
	v15 =	vimm.s32 $0x8  }
0x12: {  	v17 =	vsel vm0, $0x100, v17;
	v18 =	vsel vm0, $0x180, v18;
	v19 =	vsel vm0, $0x200, v19  }
0x13: {  	v20 =	vsel vm0, $0x280, v20;
	v21 =	vsel vm0, $0x300, v21;
	v22 =	vsel vm0, $0x380, v22  }
0x14: {  	vm8 =	vcmask $0x1F1C;
	vm9 =	vcmask $0x2320;
	vm10 =	vcmask $0x2724  }
0x15: {  	vm11 =	vcmask $0x2B28;
	vm12 =	vcmask $0x2F2C;
	vm13 =	vcmask $0x3330  }
0x16: {  	v24 =	vshrl.u32 v63, $0x3;
	v27 =	vunpack.c.l.s4.s8 v26;
	v26 =	vand.u32 $0x7, v63  }
0x17: {  	v29 =	vunpack.c.l.s4.s8 v29;
	v30 =	vunpack.c.l.s4.s8 v30;
	v43 =	vunpack.c.l.s4.s8 v43  }
0x18: {  	v44 =	vunpack.c.l.s4.s8 v44;
	v45 =	vunpack.c.l.s4.s8 v45;
	v16 =	vsel vm14, $0x80, v16  }
0x19: {  	v15 =	vsel vm0, $0x80, v15;
	v17 =	vsel vm14, $0x180, v17;
	v18 =	vsel vm14, $0x200, v18  }
0x1a: {  	v19 =	vsel vm14, $0x280, v19;
	v20 =	vsel vm14, $0x300, v20;
	v21 =	vsel vm14, $0x380, v21  }
0x1b: {  	v22 =	vsel vm14, $0x0, v22;
	v25 =	vmul.u32 $0xFFFFFC00, v24;
	v24 =	vmul.u32 $0x400, v24  }
0x1c: {  	v16 =	vsel vm15, $0x100, v16;
	v15 =	vsel vm14, $0x100, v15;
	v17 =	vsel vm15, $0x200, v17  }
0x1d: {  	v18 =	vsel vm15, $0x280, v18;
	v19 =	vsel vm15, $0x300, v19;
	v20 =	vsel vm15, $0x380, v20  }
0x1e: {  	v21 =	vsel vm15, $0x0, v21;
	v22 =	vsel vm15, $0x80, v22;
	vm14 =	vcmask $0x3734  }
0x1f: {  	v33 =	vunpack.c.0.s8.s32 v27;
	v27 =	vunpack.c.l.s4.s8 v28;
	v28 =	vimm.s32 $0x10FEDCBA  }
0x20: {  	v36 =	vunpack.c.0.s8.s32 v29;
	v37 =	vunpack.c.0.s8.s32 v30;
	v43 =	vunpack.c.0.s8.s32 v43  }
0x21: {  	v44 =	vunpack.c.0.s8.s32 v44;
	v45 =	vunpack.c.0.s8.s32 v45;
	v16 =	vsel vm4, $0x180, v16  }
0x22: {  	v15 =	vsel vm15, $0x180, v15;
	v17 =	vsel vm4, $0x280, v17;
	v18 =	vsel vm4, $0x300, v18  }
0x23: {  	v19 =	vsel vm4, $0x380, v19;
	v20 =	vsel vm4, $0x0, v20;
	v21 =	vsel vm4, $0x80, v21  }
0x24: {  	v22 =	vsel vm4, $0x100, v22;
	vm15 =	vcmask $0x3B38;
	v25 =	vadd.s32 $0x400, v25  }
0x25: {  	v28 =	vunpack.c.l.s4.s8 v28;
	v16 =	vsel vm5, $0x200, v16;
	v15 =	vsel vm4, $0x200, v15  }
0x26: {  	v17 =	vsel vm5, $0x300, v17;
	v18 =	vsel vm5, $0x380, v18;
	v19 =	vsel vm5, $0x0, v19  }
0x27: {  	v20 =	vsel vm5, $0x80, v20;
	v21 =	vsel vm5, $0x100, v21;
	v22 =	vsel vm5, $0x180, v22  }
0x28: {  	v34 =	vunpack.c.0.s8.s32 v27;
	v27 =	vunpack.c.l.s4.s8 v31;
	v49 =	vcombine.low v44, v43  }
0x29: {  	v45 =	vand.u32 $0xF, v45;
	v62 =	vcombine.low v43, v44;
	v16 =	vsel vm6, $0x280, v16  }
0x2a: {  	v15 =	vsel vm5, $0x280, v15;
	v17 =	vsel vm6, $0x380, v17;
	v18 =	vsel vm6, $0x0, v18  }
0x2b: {  	v19 =	vsel vm6, $0x80, v19;
	v20 =	vsel vm6, $0x100, v20;
	v21 =	vsel vm6, $0x180, v21  }
0x2c: {  	v22 =	vsel vm6, $0x200, v22;
	v35 =	vunpack.c.0.s8.s32 v28;
	v28 =	vimm.s32 $0x3210FEDC  }
0x2d: {  	v16 =	vsel vm7, $0x300, v16;
	v15 =	vsel vm6, $0x300, v15;
	v17 =	vsel vm7, $0x0, v17  }
0x2e: {  	v18 =	vsel vm7, $0x80, v18;
	v19 =	vsel vm7, $0x100, v19;
	v20 =	vsel vm7, $0x180, v20  }
0x2f: {  	v21 =	vsel vm7, $0x200, v21;
	v22 =	vsel vm7, $0x280, v22;
	v38 =	vunpack.c.0.s8.s32 v27  }
0x30: {  	v27 =	vunpack.c.l.s4.s8 v28;
	v28 =	vimm.s32 $0xBA987654;
	v29 =	vcombine.low v34, v33  }
0x31: {  	v52 =	vcombine.low v33, v34;
	v34 =	vand.u32 $0xF, v49;
	v16 =	vsel vm8, $0x380, v16  }
0x32: {  	v15 =	vsel vm7, $0x380, v15;
	v17 =	vsel vm8, $0x80, v17;
	v18 =	vsel vm8, $0x100, v18  }
0x33: {  	v19 =	vsel vm8, $0x180, v19;
	v20 =	vsel vm8, $0x200, v20;
	v21 =	vsel vm8, $0x280, v21  }
0x34: {  	v22 =	vsel vm8, $0x300, v22;
	v30 =	vcombine.low v36, v35;
	v28 =	vunpack.c.l.s4.s8 v28  }
0x35: {  	v36 =	vcombine.low v35, v36;
	v16 =	vsel vm9, $0x8, v16;
	v15 =	vsel vm8, $0x0, v15  }
0x36: {  	v17 =	vsel vm9, $0x108, v17;
	v18 =	vsel vm9, $0x188, v18;
	v19 =	vsel vm9, $0x208, v19  }
0x37: {  	v20 =	vsel vm9, $0x288, v20;
	v21 =	vsel vm9, $0x308, v21;
	v22 =	vsel vm9, $0x388, v22  }
0x38: {  	v31 =	vcombine.low v38, v37;
	v39 =	vunpack.c.0.s8.s32 v27;
	v27 =	vimm.s32 $0x43210FED  }
0x39: {  	v37 =	vcombine.low v37, v38;
	v35 =	vand.u32 $0xF, v52;
	v16 =	vsel vm10, $0x88, v16  }
0x3a: {  	v15 =	vsel vm9, $0x88, v15;
	v17 =	vsel vm10, $0x188, v17;
	v18 =	vsel vm10, $0x208, v18  }
0x3b: {  	v19 =	vsel vm10, $0x288, v19;
	v20 =	vsel vm10, $0x308, v20;
	v21 =	vsel vm10, $0x388, v21  }
0x3c: {  	v22 =	vsel vm10, $0x8, v22;
	v40 =	vunpack.c.0.s8.s32 v28;
	v32 =	vunpack.c.l.s4.s8 v27  }
0x3d: {  	v27 =	vand.u32 $0xF, v29;
	v28 =	vand.u32 $0xF, v30;
	v30 =	vunpack.c.l.s4.s8 v41  }
0x3e: {  	v36 =	vand.u32 $0xF, v36;
	v41 =	vand.u32 $0xF, v62;
	v16 =	vsel vm11, $0x108, v16  }
0x3f: {  	v15 =	vsel vm10, $0x108, v15;
	v17 =	vsel vm11, $0x208, v17;
	v18 =	vsel vm11, $0x288, v18  }
0x40: {  	v19 =	vsel vm11, $0x308, v19;
	v20 =	vsel vm11, $0x388, v20;
	v21 =	vsel vm11, $0x8, v21  }
0x41: {  	s0 =	rddreg [dreg:$0x0];
	s4 =	simm.s32 $0x0;
	v22 =	vsel vm11, $0x88, v22;
	v29 =	vand.u32 $0xF, v31;
	v37 =	vand.u32 $0xF, v37  }
0x42: {  	[smem:$0x7FF] =	sst s4;
	v16 =	vsel vm12, $0x188, v16;
	v15 =	vsel vm11, $0x188, v15;
	v17 =	vsel vm12, $0x288, v17  }
0x43: {  	s2 =	rddreg [dreg:$0x1];
	_ =	strace $0x80000047;
	[tilespmem:$0x1FF10] =	vst v0;
	v18 =	vsel vm12, $0x308, v18;
	v19 =	vsel vm12, $0x388, v19;
	v20 =	vsel vm12, $0x8, v20  }
0x44: {  	[tilespmem:$0x1FF20] =	vst v1;
	v21 =	vsel vm12, $0x88, v21;
	v22 =	vsel vm12, $0x108, v22;
	v31 =	vcombine.low v40, v39  }
0x45: {  	s1 =	srdreg.scid;
	s3 =	stileid.u32;
	s12 =	simm.s32 $0x80;
	[tilespmem:$0x1FF30] =	vst v2;
	v42 =	vunpack.c.0.s8.s32 v30;
	v30 =	vimm.s32 $0x543210FE;
	v58 =	vcombine.low v39, v40  }
0x46: {  	s15 =	simm.s32 $0x6400;
	s16 =	simm.s32 $0x8400;
	s18 =	simm.s32 $0xA400;
	[tilespmem:$0x1FF40] =	vst v3;
	v16 =	vsel vm13, $0x208, v16;
	v15 =	vsel vm12, $0x208, v15;
	v17 =	vsel vm13, $0x308, v17  }
0x47: {  	s20 =	simm.s32 $0xC400;
	s28 =	simm.s32 $0x2;
	s30 =	simm.s32 $0x12400;
	[tilespmem:$0x1FF50] =	vst v4;
	v18 =	vsel vm13, $0x388, v18;
	v19 =	vsel vm13, $0x8, v19;
	v20 =	vsel vm13, $0x88, v20  }
0x48: {  	s31 =	simm.s32 $0x3;
	s13 =	simm.s32 $0x4;
	s17 =	simm.s32 $0x9;
	[tilespmem:$0x1FF60] =	vst v5;
	v21 =	vsel vm13, $0x108, v21;
	v22 =	vsel vm13, $0x188, v22;
	v30 =	vunpack.c.l.s4.s8 v30  }
0x49: {  	s19 =	simm.s32 $0x16400;
	s1 =	sand.u32 $0x1, s1;
	s3 =	sshll.u32 s3, $0x1;
	[tilespmem:$0x1FF70] =	vst v6;
	v16 =	vsel vm14, $0x288, v16;
	v15 =	vsel vm13, $0x288, v15;
	v17 =	vsel vm14, $0x388, v17  }
0x4a: {  	s6 =	simm.s32 $0x18400;
	s7 =	simm.s32 $0x0;
	s3 =	sor.u32 s1, s3;
	[tilespmem:$0x1FF80] =	vst v7;
	v18 =	vsel vm14, $0x8, v18;
	v19 =	vsel vm14, $0x88, v19;
	v20 =	vsel vm14, $0x108, v20  }
0x4b: {  	s4 =	sadd.s32 $0x19400, s0;
	s1 =	ssub.s32 $0x2, s1;
	[tilespmem:$0x1FF90] =	vst v8;
	s21 =	sshll.u32 s3, $0x4;
	v21 =	vsel vm14, $0x188, v21;
	v22 =	vsel vm14, $0x208, v22;
	v38 =	vand.u32 $0xF, v58  }
0x4c: {  	[tilespmem:$0x1FFA0] =	vst v9;
	s22 =	sshrl.u32 s1, $0x1;
	s3 =	sshll.u32 s3, $0xA;
	s5 =	sadd.s32 s21, s0;
	v23 =	vsel vm14, $0x308, v15;
	v53 =	vsel vm15, $0x308, v16;
	v55 =	vsel vm15, $0x8, v17  }
0x4d: {  	s0 =	ssub.s32 s1, s22;
	s24 =	sor.u32 $0x40000, s3;
	s25 =	sor.u32 $0x80000, s3;
	v56 =	vsel vm15, $0x88, v18;
	v12 =	vsel vm15, $0x208, v21;
	v21 =	vimm.s32 $0xDCBA9876  }
0x4e: {  	[tilespmem:$0x1FFB0] =	vst v10;
	s26 =	sor.u32 $0xC0000, s3;
	[dreg:$0x3] =	wrdreg s3;
	s29 =	sor.u32 $0x100000, s3;
	v60 =	vsel vm15, $0x188, v20;
	v20 =	vunpack.c.0.s8.s32 v32;
	v32 =	vunpack.c.l.s4.s8 v21  }
0x4f: {  	[tilespmem:$0x1FFC0] =	vst v11;
	s22 =	simm.s32 $0xE400;
	s1 =	simm.s32 $0x8;
	[dreg:$0x5] =	wrdreg s24;
	v57 =	vsel vm15, $0x108, v19;
	v16 =	vsel vm15, $0x288, v22;
	v47 =	vunpack.c.0.s8.s32 v30  }
.Ltmp0:
0x50: {  	[tilespmem:$0x1FFD0] =	vst v13;
	s21 =	simm.s32 $0x5;
	[dreg:$0x6] =	wrdreg s25;
	v22 =	vunpack.c.l.s4.s8 v46;
	v30 =	vand.u32 $0xF, v31;
	v48 =	vunpack.c.0.s8.s32 v32;
	(pc) =	sbr.rel .LBB2_1-.Ltmp0, $4  }
0x51: {  	[tilespmem:$0x1FFE0] =	vst v14;
	s3 =	simm.s32 $0xA;
	s23 =	sadd.s32 $0x400, s5;
	[dreg:$0x7] =	wrdreg s26;
	v54 =	vsel vm15, $0x388, v23;
	v31 =	vcombine.low v42, v20;
	v59 =	vcombine.low v20, v42  }
0x52: {  	[dreg:$0x8] =	wrdreg s29;
	s0 =	smax.u32 s0, $0x1;
	s24 =	simm.s32 $0x10400;
	[tilespmem:$0x1FEF0] =	vst v16;
	v32 =	vunpack.c.0.s8.s32 v22;
	v23 =	vcombine.low v48, v47;
	v61 =	vcombine.low v47, v48  }
0x53: {  	s25 =	simm.s32 $0x400;
	s26 =	simm.s32 $0x8000;
	[dreg:$0x4] =	wrdreg s23;
	v15 =	vmul.u32 $0x40, v63;
	[tilespmem:$0x1FF00] =	vst v12;
	v31 =	vand.u32 $0xF, v31;
	v39 =	vand.u32 $0xF, v59  }
0x54: {  	[dreg:$0x9] =	wrdreg s0;
	s23 =	simm.s32 $0x1;
	s0 =	simm.s32 $0x14400;
	[tilespmem:$0x1FFF0] =	vst v53;
	v32 =	vcombine.low v45, v32;
	v33 =	vand.u32 $0xF, v23;
	v40 =	vand.u32 $0xF, v61  }
.LBB2_30:
0x55: {  	s5 =	simm.s32 $0x6  }
0x56: {  	_ =	swait.ge [sflag:s5], $0x2000  }
0x57: {  	[sflag:s5] =	ssyncset.done $0x0  }
0x58: {  	s14 =	simm.s32 $0x7;
	[sflag:s5] =	ssyncadd.s32 $0xFFFFE000  }
0x59: {  	_ =	swait.ge [sflag:s14], $0x2000  }
0x5a: {  	[sflag:s14] =	ssyncset.done $0x0  }
0x5b: {  	[sflag:s14] =	ssyncadd.s32 $0xFFFFE000  }
0x5c: {  	_ =	swait.ge [sflag:s1], $0x2000  }
0x5d: {  	[sflag:s1] =	ssyncset.done $0x0  }
0x5e: {  	[sflag:s1] =	ssyncadd.s32 $0xFFFFE000  }
0x5f: {  	_ =	swait.ge [sflag:s17], $0x2000  }
0x60: {  	[sflag:s17] =	ssyncset.done $0x0  }
0x61: {  	[sflag:s17] =	ssyncadd.s32 $0xFFFFE000  }
0x62: {  	_ =	swait.ge [sflag:s3], $0x2000  }
0x63: {  	s7 =	rddreg [dreg:$0xa]  }
0x64: {  	s29 =	rddreg [dreg:$0x9];
	s7 =	sadd.s32 $0x1, s7  }
0x65: {  	p0 =	sne.s32 s7, s29  }
.Ltmp1:
0x66: {  	_ = 	snop;
	(pc) =	sbr.rel @!p0 .LBB2_31-.Ltmp1, $3  }
0x67: {  	_ =	sdelay $0x1  }
0x68: {  	[sflag:s3] =	ssyncset.done $0x0;
	v12 =	vld [tilespmem:$0x1FF00]  }
0x69: {  	v16 =	vld [tilespmem:$0x1FEF0];
	[sflag:s3] =	ssyncadd.s32 $0xFFFFE000  }
.LBB2_1:
0x6a: {  	[dreg:$0xa] =	wrdreg s7;
	s5 =	simm.s32 $0x0  }
0x6b: {  	s9 =	rddreg [dreg:$0x4];
	s8 =	simm.s32 $0x1000;
	s10 =	simm.s32 $0xB  }
0x6c: {  	[tilespmem:s5], [sflag:$0xB] =	stream.strided.gather [hbm4b:s9+s12], $0x6400, s8, s12, $0x38;
	[tilespmem:$0x1A400] =	vst v63  }
0x6d: {  	_ =	swait.ge [sflag:s10], $0x6400  }
0x6e: {  	[sflag:s10] =	ssyncset.done $0x0  }
0x6f: {  	[sflag:s10] =	ssyncadd.s32 $0xFFFF9C00  }
0x70: {  	[tilespmem:s15], [sflag:$0x1] =	stream.indirect.gather [hbm4b:s4+s12], $0x40, s5, s12, $0xb8;
	[tilespmem:$0x1A400] =	vst v63  }
0x71: {  	_ = 	snop  }
0x72: {  	[tilespmem:s16], [sflag:$0x2] =	stream.indirect.gather [hbm4b:s4+s12], $0x40, s12, s12, $0xb8;
	[tilespmem:$0x1A400] =	vst v63  }
0x73: {  	s11 =	simm.s32 $0x100  }
0x74: {  	[tilespmem:s18], [sflag:$0x3] =	stream.indirect.gather [hbm4b:s4+s12], $0x40, s11, s12, $0xb8;
	[tilespmem:$0x1A400] =	vst v63  }
0x75: {  	s14 =	simm.s32 $0x180  }
0x76: {  	[tilespmem:s20], [sflag:$0x4] =	stream.indirect.gather [hbm4b:s4+s12], $0x40, s14, s12, $0xb8;
	[tilespmem:$0x1A400] =	vst v63  }
0x77: {  	s29 =	simm.s32 $0x200;
	s11 =	simm.s32 $0x0  }
0x78: {  	[tilespmem:s22], [sflag:$0x5] =	stream.indirect.gather [hbm4b:s4+s12], $0x40, s29, s12, $0xb8;
	[tilespmem:$0x1A400] =	vst v63  }
.LBB2_2:
0x79: {  	_ =	swait.ge [sflag:s23], $0x2000  }
0x7a: {  	p0 =	seq.s32 s11, $0x0;
	[sflag:s23] =	ssyncset.done $0x0  }
0x7b: {  	s5 =	simm.s32 @!p0 $0x6;
	[sflag:s23] =	ssyncadd.s32 $0xFFFFE000  }
0x7c: {  	_ =	swait.ge @!p0 [sflag:s5], $0x2000  }
0x7d: {  	v1 =	vld [tilespmem:$0x1FF10]  }
0x7e: {  	v2 =	vld [tilespmem:$0x1FF20]  }
0x7f: {  	v3 =	vld [tilespmem:$0x1FF30]  }
0x80: {  	v4 =	vld [tilespmem:$0x1FF40]  }
0x81: {  	v5 =	vld [tilespmem:$0x1FF50]  }
0x82: {  	v6 =	vld [tilespmem:$0x1FF60]  }
0x83: {  	v7 =	vld [tilespmem:$0x1FF70]  }
0x84: {  	v8 =	vld [tilespmem:$0x1FF80]  }
0x85: {  	v9 =	vld [tilespmem:$0x1FF90]  }
0x86: {  	v10 =	vld [tilespmem:$0x1FFA0]  }
0x87: {  	v11 =	vld [tilespmem:$0x1FFB0]  }
0x88: {  	v13 =	vld [tilespmem:$0x1FFC0]  }
0x89: {  	s14 =	simm.s32 $0xFFFFFFE0;
	[sflag:s5] =	ssyncset.done @!p0 $0x0;
	v14 =	vld [tilespmem:$0x1FFD0]  }
0x8a: {  	s7 =	simm.s32 $0x0;
	v17 =	vld [tilespmem:$0x1FFE0];
	[sflag:s5] =	ssyncadd.s32 @!p0 $0xFFFFE000;
	s5 =	simm.s32 $0x0  }
.LBB2_3:
0x8b: {  	s9 =	sand.u32 $0x70, s5  }
0x8c: {  	v42 =	vmov s9  }
0x8d: {  	s8 =	sand.u32 $0x2, s7;
	v42 =	vshll.u32 v42, $0x6  }
0x8e: {  	s10 =	sshll.u32 s8, $0x4;
	v50 =	vor.u32 v15, v42  }
0x8f: {  	v51 =	vor.u32 s10, v50  }
0x90: {  	s29 =	sshll.u32 s8, $0x1;
	v62 =	vor.u32 v63, v51  }
0x91: {  	v43 =	vmov s29;
	v63 =	vor.u32 v27, v51  }
0x92: {  	v52 =	vshll.u32 v43, $0xA  }
0x93: {  	v48 =	vor.u32 s9, v53;
	v44 =	vor.u32 v24, v52  }
0x94: {  	v42 =	vor.u32 s9, v54;
	v53 =	vor.u32 v17, v52;
	v44 =	vor.u32 v48, v44  }
0x95: {  	v46 =	vor.u32 v26, v44;
	v44 =	vor.u32 v42, v53;
	v45 =	vld.idx.msk [tilespmem:v62+s15+$0x0], $0xffff  }
0x96: {  	v43 =	vor.u32 s9, v56;
	v58 =	vor.u32 v13, v52;
	v49 =	vor.u32 v26, v44;
	v47 =	vld.idx.msk [tilespmem:v63+s15+$0x0], $0xffff  }
0x97: {  	v18 =	vmovc v54;
	v20 =	vmovc v56;
	v61 =	vor.u32 v10, v52;
	v53 =	vor.u32 v28, v51;
	v44 =	vor.u32 s9, v55  }
0x98: {  	v23 =	vmovc v15;
	v15 =	vor.u32 v2, v52;
	v56 =	vor.u32 v30, v51;
	v59 =	vor.u32 v44, v58  }
0x99: {  	v19 =	vmovc v55;
	v55 =	vor.u32 v29, v51;
	v54 =	vor.u32 v26, v59;
	v59 =	vor.u32 v33, v51  }
0x9a: {  	v62 =	vor.u32 v43, v61;
	v63 =	vor.u32 v8, v52;
	[tilespmem:v46+s24+$0x0] =	vst.idx.msk $0xffff, v45  }
0x9b: {  	v22 =	vmovc v60;
	v58 =	vor.u32 v26, v62;
	[tilespmem:v49+s24+$0x0] =	vst.idx.msk $0xffff, v47;
	v45 =	vor.u32 s9, v57;
	v46 =	vor.u32 s9, v60  }
0x9c: {  	v53 =	vld.idx.msk [tilespmem:v53+s15+$0x0], $0xffff;
	v49 =	vor.u32 v6, v52;
	v60 =	vor.u32 v34, v51;
	v47 =	vor.u32 v45, v63  }
0x9d: {  	v62 =	vor.u32 v32, v51;
	v49 =	vor.u32 v46, v49;
	v61 =	vor.u32 v26, v47  }
0x9e: {  	v21 =	vmovc v57;
	v55 =	vld.idx.msk [tilespmem:v55+s15+$0x0], $0xffff;
	v63 =	vor.u32 v26, v49;
	v49 =	vor.u32 s9, v12;
	v47 =	vor.u32 v4, v52  }
0x9f: {  	v0 =	vmovc v16;
	v56 =	vld.idx.msk [tilespmem:v56+s15+$0x0], $0xffff;
	v57 =	vor.u32 v31, v51;
	v12 =	vor.u32 v49, v47;
	v47 =	vor.u32 s9, v16  }
0xa0: {  	v59 =	vld.idx.msk [tilespmem:v59+s15+$0x0], $0xffff;
	v16 =	vor.u32 v25, v52;
	v12 =	vor.u32 v26, v12;
	v15 =	vor.u32 v47, v15  }
0xa1: {  	[tilespmem:v54+s24+$0x0] =	vst.idx.msk $0xffff, v53;
	v16 =	vor.u32 v48, v16;
	v53 =	vld.idx.msk [tilespmem:v60+s15+$0x0], $0xffff;
	v15 =	vor.u32 v26, v15  }
0xa2: {  	v54 =	vld.idx.msk [tilespmem:v62+s15+$0x0], $0xffff;
	v16 =	vor.u32 v26, v16  }
0xa3: {  	[tilespmem:v58+s24+$0x0] =	vst.idx.msk $0xffff, v55;
	v55 =	vor.u32 v35, v51  }
0xa4: {  	v62 =	vor.u32 v36, v51;
	[tilespmem:v61+s24+$0x0] =	vst.idx.msk $0xffff, v56  }
0xa5: {  	v58 =	vor.u32 v39, v51;
	v57 =	vld.idx.msk [tilespmem:v57+s15+$0x0], $0xffff;
	[tilespmem:v12+s24+$0x0] =	vst.idx.msk $0xffff, v59  }
0xa6: {  	v60 =	vor.u32 v9, v52;
	v12 =	vor.u32 v14, v52;
	[tilespmem:v15+s24+$0x0] =	vst.idx.msk $0xffff, v53  }
0xa7: {  	v12 =	vor.u32 v42, v12;
	[tilespmem:v16+s24+$0x0] =	vst.idx.msk $0xffff, v54;
	v16 =	vor.u32 v11, v52  }
0xa8: {  	s8 =	sor.u32 $0x1, s8;
	v15 =	vld.idx.msk [tilespmem:v55+s15+$0x0], $0xffff;
	v53 =	vor.u32 v37, v51;
	v12 =	vor.u32 v26, v12;
	v16 =	vor.u32 v44, v16  }
0xa9: {  	s29 =	sshll.u32 s8, $0x4;
	v56 =	vor.u32 v38, v51;
	v61 =	vor.u32 v7, v52;
	v55 =	vld.idx.msk [tilespmem:v62+s15+$0x0], $0xffff;
	v16 =	vor.u32 v26, v16  }
0xaa: {  	v50 =	vor.u32 s29, v50;
	v59 =	vor.u32 v5, v52;
	[tilespmem:v63+s24+$0x0] =	vst.idx.msk $0xffff, v57;
	v54 =	vor.u32 v43, v60  }
0xab: {  	v57 =	vor.u32 v45, v61;
	v62 =	vor.u32 v3, v52;
	v52 =	vor.u32 v1, v52  }
0xac: {  	v60 =	vor.u32 v40, v51;
	v54 =	vor.u32 v26, v54;
	v52 =	vor.u32 v47, v52  }
0xad: {  	[tilespmem:v12+s24+$0x0] =	vst.idx.msk $0xffff, v15;
	v12 =	vor.u32 v46, v59;
	v15 =	vor.u32 v41, v51;
	v51 =	vld.idx.msk [tilespmem:v53+s15+$0x0], $0xffff  }
0xae: {  	s8 =	sshll.u32 s8, $0x1;
	v53 =	vor.u32 v26, v57;
	v59 =	vor.u32 v27, v50;
	[tilespmem:v16+s24+$0x0] =	vst.idx.msk $0xffff, v55;
	v16 =	vld.idx.msk [tilespmem:v56+s15+$0x0], $0xffff  }
0xaf: {  	v63 =	vlaneseq.u32;
	v61 =	vmov s8;
	v52 =	vor.u32 v26, v52  }
0xb0: {  	v58 =	vld.idx.msk [tilespmem:v58+s15+$0x0], $0xffff;
	v57 =	vor.u32 v63, v50;
	v12 =	vor.u32 v26, v12;
	v56 =	vshll.u32 v61, $0xA  }
0xb1: {  	v55 =	vor.u32 v49, v62;
	v61 =	vor.u32 v24, v56;
	v62 =	vor.u32 v17, v56  }
0xb2: {  	v61 =	vor.u32 v48, v61;
	v62 =	vor.u32 v42, v62;
	v15 =	vld.idx.msk [tilespmem:v15+s15+$0x0], $0xffff;
	[tilespmem:v54+s24+$0x0] =	vst.idx.msk $0xffff, v51  }
0xb3: {  	v54 =	vor.u32 v26, v61;
	v61 =	vor.u32 v26, v62;
	[tilespmem:v53+s24+$0x0] =	vst.idx.msk $0xffff, v16;
	v16 =	vld.idx.msk [tilespmem:v59+s15+$0x0], $0xffff  }
0xb4: {  	v60 =	vld.idx.msk [tilespmem:v60+s15+$0x0], $0xffff;
	v55 =	vor.u32 v26, v55  }
0xb5: {  	[tilespmem:v12+s24+$0x0] =	vst.idx.msk $0xffff, v58;
	v12 =	vor.u32 v28, v50  }
0xb6: {  	v62 =	vor.u32 v30, v50  }
0xb7: {  	v51 =	vld.idx.msk [tilespmem:v57+s15+$0x0], $0xffff;
	v57 =	vor.u32 v34, v50;
	[tilespmem:v52+s24+$0x0] =	vst.idx.msk $0xffff, v15;
	v15 =	vor.u32 v29, v50  }
0xb8: {  	v53 =	vor.u32 v31, v50;
	[tilespmem:v61+s24+$0x0] =	vst.idx.msk $0xffff, v16;
	v16 =	vor.u32 v13, v56  }
0xb9: {  	[tilespmem:v55+s24+$0x0] =	vst.idx.msk $0xffff, v60;
	v60 =	vor.u32 v8, v56;
	v16 =	vor.u32 v44, v16  }
0xba: {  	v59 =	vor.u32 v10, v56;
	v55 =	vor.u32 v45, v60;
	v12 =	vld.idx.msk [tilespmem:v12+s15+$0x0], $0xffff;
	v16 =	vor.u32 v26, v16  }
0xbb: {  	v55 =	vor.u32 v26, v55;
	v52 =	vor.u32 v43, v59  }
0xbc: {  	v59 =	vor.u32 v32, v50;
	v52 =	vor.u32 v26, v52;
	v61 =	vor.u32 v6, v56;
	v15 =	vld.idx.msk [tilespmem:v15+s15+$0x0], $0xffff  }
0xbd: {  	[tilespmem:v54+s24+$0x0] =	vst.idx.msk $0xffff, v51;
	v51 =	vld.idx.msk [tilespmem:v62+s15+$0x0], $0xffff;
	v58 =	vor.u32 v46, v61;
	v61 =	vor.u32 v2, v56  }
0xbe: {  	v62 =	vor.u32 v25, v56;
	v53 =	vld.idx.msk [tilespmem:v53+s15+$0x0], $0xffff;
	v58 =	vor.u32 v26, v58;
	v61 =	vor.u32 v47, v61  }
0xbf: {  	[tilespmem:v16+s24+$0x0] =	vst.idx.msk $0xffff, v12;
	v12 =	vor.u32 v48, v62;
	v16 =	vld.idx.msk [tilespmem:v57+s15+$0x0], $0xffff;
	v48 =	vor.u32 v26, v61;
	_ =	sdelay $0x1  }
0xc0: {  	v60 =	vor.u32 v4, v56;
	v12 =	vor.u32 v26, v12;
	[tilespmem:v52+s24+$0x0] =	vst.idx.msk $0xffff, v15;
	v15 =	vld.idx.msk [tilespmem:v59+s15+$0x0], $0xffff  }
0xc1: {  	v60 =	vor.u32 v49, v60;
	v54 =	vor.u32 v33, v50;
	[tilespmem:v55+s24+$0x0] =	vst.idx.msk $0xffff, v51  }
0xc2: {  	v60 =	vor.u32 v26, v60;
	[tilespmem:v58+s24+$0x0] =	vst.idx.msk $0xffff, v53;
	v62 =	vor.u32 v35, v50  }
0xc3: {  	v58 =	vor.u32 v11, v56;
	[tilespmem:v48+s24+$0x0] =	vst.idx.msk $0xffff, v16;
	v16 =	vor.u32 v36, v50  }
0xc4: {  	v61 =	vor.u32 v9, v56;
	v53 =	vor.u32 v40, v50;
	v59 =	vor.u32 v38, v50  }
0xc5: {  	[tilespmem:v12+s24+$0x0] =	vst.idx.msk $0xffff, v15;
	v12 =	vor.u32 v14, v56;
	v15 =	vor.u32 v37, v50  }
0xc6: {  	v54 =	vld.idx.msk [tilespmem:v54+s15+$0x0], $0xffff;
	v12 =	vor.u32 v42, v12;
	v42 =	vor.u32 v44, v58;
	v44 =	vor.u32 v39, v50  }
0xc7: {  	v43 =	vor.u32 v43, v61;
	v51 =	vld.idx.msk [tilespmem:v62+s15+$0x0], $0xffff;
	v62 =	vor.u32 v7, v56;
	v12 =	vor.u32 v26, v12  }
0xc8: {  	v45 =	vor.u32 v45, v62;
	v50 =	vor.u32 v41, v50;
	v42 =	vor.u32 v26, v42;
	v16 =	vld.idx.msk [tilespmem:v16+s15+$0x0], $0xffff  }
0xc9: {  	v61 =	vor.u32 v1, v56;
	v48 =	vld.idx.msk [tilespmem:v59+s15+$0x0], $0xffff;
	v45 =	vor.u32 v26, v45;
	v58 =	vor.u32 v5, v56  }
0xca: {  	v43 =	vor.u32 v26, v43;
	v59 =	vor.u32 v3, v56;
	v46 =	vor.u32 v46, v58;
	v15 =	vld.idx.msk [tilespmem:v15+s15+$0x0], $0xffff  }
0xcb: {  	[tilespmem:v60+s24+$0x0] =	vst.idx.msk $0xffff, v54;
	v49 =	vor.u32 v49, v59;
	v46 =	vor.u32 v26, v46;
	v44 =	vld.idx.msk [tilespmem:v44+s15+$0x0], $0xffff  }
0xcc: {  	s14 =	sadd.s32 $0x20, s14;
	v47 =	vor.u32 v47, v61;
	v49 =	vor.u32 v26, v49;
	[tilespmem:v12+s24+$0x0] =	vst.idx.msk $0xffff, v51;
	v12 =	vld.idx.msk [tilespmem:v53+s15+$0x0], $0xffff  }
0xcd: {  	p1 =	slt.u32 s14, $0x1E0;
	v62 =	vor.u32 v26, v47;
	[tilespmem:v42+s24+$0x0] =	vst.idx.msk $0xffff, v16;
	v16 =	vld.idx.msk [tilespmem:v50+s15+$0x0], $0xffff  }
.Ltmp2:
0xce: {  	[tilespmem:v45+s24+$0x0] =	vst.idx.msk $0xffff, v48;
	(pc) =	sbr.rel @p1 .LBB2_3-.Ltmp2, $4  }
0xcf: {  	[tilespmem:v43+s24+$0x0] =	vst.idx.msk $0xffff, v15  }
0xd0: {  	[tilespmem:v46+s24+$0x0] =	vst.idx.msk $0xffff, v44  }
0xd1: {  	v55 =	vmov v19;
	v57 =	vmov v21;
	v53 =	vld [tilespmem:$0x1FFF0];
	[tilespmem:v49+s24+$0x0] =	vst.idx.msk $0xffff, v12  }
0xd2: {  	s7 =	sadd.s32 $0x2, s7;
	s5 =	sadd.s32 $0x8, s5;
	v60 =	vmovc v22;
	v54 =	vmovc v18;
	v56 =	vmov v20;
	v15 =	vmov v23;
	v12 =	vld [tilespmem:$0x1FF00];
	[tilespmem:v62+s24+$0x0] =	vst.idx.msk $0xffff, v16;
	v16 =	vmov v0  }
0xd3: {  	s14 =	smul.u32 $0x140000, s11;
	p1 =	sne.s32 s11, $0x27  }
.Ltmp3:
0xd4: {  	s5 =	rddreg [dreg:$0x3];
	(pc) =	sbr.rel @p1 .LBB2_6-.Ltmp3, $4  }
0xd5: {  	s5 =	sor.u32 s5, s14  }
0xd6: {  	s5 =	sshrl.u32 s5, $0x3  }
0xd7: {  	s5 =	sadd.s32 s2, s5  }
0xd8: {  	[hbm4b:s5+s25] =	stream.strided.scatter [tilespmem:s24], [sflag:$0x6], $0x2000, s26, s25, $0x38;
	[tilespmem:$0x1A400] =	vst v63  }
0xd9: {  	_ =	swait.ge [sflag:s28], $0x2000  }
0xda: {  	v0 =	vld [tilespmem:$0x1FF10]  }
0xdb: {  	v1 =	vld [tilespmem:$0x1FF20]  }
0xdc: {  	v2 =	vld [tilespmem:$0x1FF30]  }
0xdd: {  	v3 =	vld [tilespmem:$0x1FF40]  }
0xde: {  	v4 =	vld [tilespmem:$0x1FF50]  }
0xdf: {  	v5 =	vld [tilespmem:$0x1FF60]  }
0xe0: {  	v6 =	vld [tilespmem:$0x1FF70]  }
0xe1: {  	v7 =	vld [tilespmem:$0x1FF80]  }
0xe2: {  	v8 =	vld [tilespmem:$0x1FF90]  }
.Ltmp4:
0xe3: {  	v9 =	vld [tilespmem:$0x1FFA0];
	(pc) =	sbr.rel .LBB2_7-.Ltmp4, $4  }
0xe4: {  	v10 =	vld [tilespmem:$0x1FFB0]  }
0xe5: {  	v11 =	vld [tilespmem:$0x1FFC0]  }
0xe6: {  	[sflag:s28] =	ssyncset.done $0x0;
	v13 =	vld [tilespmem:$0x1FFD0]  }
0xe7: {  	v14 =	vld [tilespmem:$0x1FFE0];
	[sflag:s28] =	ssyncadd.s32 $0xFFFFE000  }
.LBB2_6:
0xe8: {  	s5 =	smul.u32 $0xA00, s11;
	_ =	sdelay $0x1  }
0xe9: {  	s5 =	sshra.s32 s5, $0x2  }
0xea: {  	s5 =	sadd.s32 $0x280, s5  }
0xeb: {  	[tilespmem:s15], [sflag:$0x1] =	stream.indirect.gather [hbm4b:s4+s12], $0x40, s5, s12, $0xb8;
	[tilespmem:$0x1A400] =	vst v63  }
0xec: {  	_ =	swait.ge [sflag:s28], $0x2000  }
0xed: {  	v0 =	vld [tilespmem:$0x1FF10]  }
0xee: {  	v1 =	vld [tilespmem:$0x1FF20]  }
0xef: {  	v2 =	vld [tilespmem:$0x1FF30]  }
0xf0: {  	v3 =	vld [tilespmem:$0x1FF40]  }
0xf1: {  	v4 =	vld [tilespmem:$0x1FF50]  }
0xf2: {  	v5 =	vld [tilespmem:$0x1FF60]  }
0xf3: {  	v6 =	vld [tilespmem:$0x1FF70]  }
0xf4: {  	v7 =	vld [tilespmem:$0x1FF80]  }
0xf5: {  	v8 =	vld [tilespmem:$0x1FF90]  }
.Ltmp5:
0xf6: {  	v9 =	vld [tilespmem:$0x1FFA0];
	(pc) =	sbr.rel @p0 .LBB2_8-.Ltmp5, $4  }
0xf7: {  	v10 =	vld [tilespmem:$0x1FFB0]  }
0xf8: {  	v11 =	vld [tilespmem:$0x1FFC0]  }
0xf9: {  	[sflag:s28] =	ssyncset.done $0x0;
	v13 =	vld [tilespmem:$0x1FFD0]  }
0xfa: {  	v14 =	vld [tilespmem:$0x1FFE0];
	[sflag:s28] =	ssyncadd.s32 $0xFFFFE000  }
.LBB2_7:
0xfb: {  	s5 =	simm.s32 $0x7  }
0xfc: {  	_ =	swait.ge [sflag:s5], $0x2000  }
0xfd: {  	[sflag:s5] =	ssyncset.done $0x0  }
0xfe: {  	[sflag:s5] =	ssyncadd.s32 $0xFFFFE000  }
.LBB2_8:
0xff: {  	s5 =	simm.s32 $0xFFFFFFE0;
	s7 =	simm.s32 $0x0;
	s8 =	simm.s32 $0x0;
	v17 =	vld [tilespmem:$0x1FF00]  }
.LBB2_9:
0x100: {  	s10 =	sand.u32 $0x70, s7  }
0x101: {  	v12 =	vmov s10  }
0x102: {  	s9 =	sand.u32 $0x2, s8;
	v12 =	vshll.u32 v12, $0x6  }
0x103: {  	s29 =	sshll.u32 s9, $0x4;
	v12 =	vor.u32 v15, v12  }
0x104: {  	v15 =	vor.u32 s29, v12;
	s29 =	sshll.u32 s9, $0x1  }
0x105: {  	v16 =	vor.u32 v63, v15;
	v42 =	vmov s29  }
0x106: {  	v43 =	vor.u32 v27, v15;
	v50 =	vshll.u32 v42, $0xA  }
0x107: {  	v48 =	vor.u32 s10, v53;
	v42 =	vor.u32 v24, v50  }
0x108: {  	v42 =	vor.u32 v48, v42  }
0x109: {  	v44 =	vor.u32 v14, v50;
	v45 =	vor.u32 v26, v42;
	v42 =	vor.u32 s10, v54  }
0x10a: {  	v63 =	vor.u32 v30, v15;
	v16 =	vld.idx.msk [tilespmem:v16+s16+$0x0], $0xffff;
	v44 =	vor.u32 v42, v44  }
0x10b: {  	v46 =	vld.idx.msk [tilespmem:v43+s16+$0x0], $0xffff;
	v47 =	vor.u32 v26, v44  }
0x10c: {  	v49 =	vor.u32 v28, v15;
	v61 =	vor.u32 v11, v50;
	v62 =	vor.u32 v9, v50  }
0x10d: {  	v59 =	vor.u32 v7, v50;
	v43 =	vor.u32 s10, v56;
	v44 =	vor.u32 s10, v55  }
0x10e: {  	v52 =	vor.u32 v43, v62;
	v55 =	vor.u32 v33, v15;
	v62 =	vor.u32 v5, v50  }
0x10f: {  	v53 =	vld.idx.msk [tilespmem:v63+s16+$0x0], $0xffff;
	v51 =	vor.u32 v44, v61;
	[tilespmem:v45+s30+$0x0] =	vst.idx.msk $0xffff, v16;
	v16 =	vor.u32 v29, v15  }
0x110: {  	v63 =	vld [tilespmem:$0x1FEF0];
	v51 =	vor.u32 v26, v51;
	[tilespmem:v47+s30+$0x0] =	vst.idx.msk $0xffff, v46;
	v47 =	vor.u32 v31, v15  }
0x111: {  	v45 =	vor.u32 s10, v57;
	v57 =	vor.u32 v34, v15;
	v46 =	vor.u32 s10, v60  }
0x112: {  	v56 =	vld.idx.msk [tilespmem:v49+s16+$0x0], $0xffff;
	v61 =	vor.u32 v45, v59;
	v60 =	vor.u32 v3, v50;
	v49 =	vor.u32 v46, v62  }
0x113: {  	v55 =	vld.idx.msk [tilespmem:v55+s16+$0x0], $0xffff;
	v54 =	vor.u32 v26, v61;
	v59 =	vor.u32 v26, v49;
	v49 =	vor.u32 s10, v17  }
0x114: {  	v58 =	vor.u32 v32, v15;
	v52 =	vor.u32 v26, v52;
	v60 =	vor.u32 v49, v60;
	v16 =	vld.idx.msk [tilespmem:v16+s16+$0x0], $0xffff  }
0x115: {  	v62 =	vor.u32 v1, v50;
	v60 =	vor.u32 v26, v60;
	v61 =	vld.idx.msk [tilespmem:v47+s16+$0x0], $0xffff;
	v47 =	vor.u32 s10, v63  }
0x116: {  	v62 =	vor.u32 v47, v62  }
0x117: {  	[tilespmem:v51+s30+$0x0] =	vst.idx.msk $0xffff, v56;
	v51 =	vld.idx.msk [tilespmem:v57+s16+$0x0], $0xffff;
	v63 =	vor.u32 v25, v50;
	v56 =	vor.u32 v26, v62  }
0x118: {  	v57 =	vor.u32 v48, v63;
	[tilespmem:v54+s30+$0x0] =	vst.idx.msk $0xffff, v53  }
0x119: {  	[tilespmem:v52+s30+$0x0] =	vst.idx.msk $0xffff, v16;
	v16 =	vld.idx.msk [tilespmem:v58+s16+$0x0], $0xffff;
	v52 =	vor.u32 v26, v57;
	v57 =	vor.u32 v35, v15  }
0x11a: {  	v54 =	vor.u32 v37, v15;
	[tilespmem:v60+s30+$0x0] =	vst.idx.msk $0xffff, v55  }
0x11b: {  	v62 =	vor.u32 v13, v50;
	[tilespmem:v59+s30+$0x0] =	vst.idx.msk $0xffff, v61;
	v61 =	vor.u32 v36, v15  }
0x11c: {  	v58 =	vor.u32 v10, v50;
	[tilespmem:v56+s30+$0x0] =	vst.idx.msk $0xffff, v51;
	v56 =	vor.u32 v42, v62  }
0x11d: {  	v60 =	vor.u32 v6, v50;
	v51 =	vor.u32 v26, v56;
	v56 =	vor.u32 v38, v15  }
0x11e: {  	[tilespmem:v52+s30+$0x0] =	vst.idx.msk $0xffff, v16;
	v16 =	vld.idx.msk [tilespmem:v57+s16+$0x0], $0xffff;
	v52 =	vor.u32 v44, v58;
	v58 =	vor.u32 v39, v15  }
0x11f: {  	s9 =	sor.u32 $0x1, s9;
	v57 =	vor.u32 v45, v60;
	v60 =	vor.u32 v40, v15;
	v15 =	vor.u32 v41, v15  }
0x120: {  	s29 =	sshll.u32 s9, $0x4;
	v59 =	vor.u32 v8, v50;
	v53 =	vld.idx.msk [tilespmem:v61+s16+$0x0], $0xffff;
	v52 =	vor.u32 v26, v52  }
0x121: {  	v12 =	vor.u32 s29, v12;
	v55 =	vor.u32 v43, v59  }
0x122: {  	v59 =	vor.u32 v4, v50;
	v61 =	vor.u32 v2, v50;
	v50 =	vor.u32 v0, v50  }
0x123: {  	v63 =	vlaneseq.u32;
	v55 =	vor.u32 v26, v55;
	v50 =	vor.u32 v47, v50;
	[tilespmem:v51+s30+$0x0] =	vst.idx.msk $0xffff, v16;
	v51 =	vld.idx.msk [tilespmem:v54+s16+$0x0], $0xffff  }
0x124: {  	s9 =	sshll.u32 s9, $0x1;
	v50 =	vor.u32 v26, v50;
	v16 =	vor.u32 v46, v59;
	v54 =	vor.u32 v26, v57;
	v15 =	vld.idx.msk [tilespmem:v15+s16+$0x0], $0xffff  }
0x125: {  	v62 =	vmov s9;
	v57 =	vor.u32 v63, v12;
	v59 =	vor.u32 v27, v12;
	[tilespmem:v52+s30+$0x0] =	vst.idx.msk $0xffff, v53;
	v52 =	vld.idx.msk [tilespmem:v56+s16+$0x0], $0xffff  }
0x126: {  	v58 =	vld.idx.msk [tilespmem:v58+s16+$0x0], $0xffff;
	v16 =	vor.u32 v26, v16;
	v53 =	vor.u32 v49, v61;
	v56 =	vshll.u32 v62, $0xA  }
0x127: {  	v60 =	vld.idx.msk [tilespmem:v60+s16+$0x0], $0xffff;
	v53 =	vor.u32 v26, v53;
	v61 =	vor.u32 v24, v56  }
0x128: {  	v62 =	vor.u32 v14, v56;
	v61 =	vor.u32 v48, v61;
	[tilespmem:v55+s30+$0x0] =	vst.idx.msk $0xffff, v51  }
0x129: {  	v55 =	vor.u32 v26, v61;
	v61 =	vor.u32 v42, v62;
	[tilespmem:v50+s30+$0x0] =	vst.idx.msk $0xffff, v15  }
0x12a: {  	v51 =	vld.idx.msk [tilespmem:v57+s16+$0x0], $0xffff;
	v15 =	vor.u32 v28, v12;
	v57 =	vor.u32 v34, v12;
	[tilespmem:v54+s30+$0x0] =	vst.idx.msk $0xffff, v52  }
0x12b: {  	v62 =	vld.idx.msk [tilespmem:v59+s16+$0x0], $0xffff;
	v59 =	vor.u32 v26, v61;
	[tilespmem:v16+s30+$0x0] =	vst.idx.msk $0xffff, v58;
	v16 =	vor.u32 v29, v12  }
0x12c: {  	v61 =	vor.u32 v9, v56;
	v54 =	vor.u32 v33, v12;
	[tilespmem:v53+s30+$0x0] =	vst.idx.msk $0xffff, v60  }
0x12d: {  	v60 =	vor.u32 v11, v56;
	v53 =	vor.u32 v31, v12;
	v52 =	vor.u32 v43, v61  }
0x12e: {  	v61 =	vor.u32 v1, v56;
	v50 =	vor.u32 v44, v60;
	v60 =	vor.u32 v5, v56  }
0x12f: {  	v52 =	vor.u32 v26, v52;
	v50 =	vor.u32 v26, v50;
	v58 =	vor.u32 v46, v60;
	v15 =	vld.idx.msk [tilespmem:v15+s16+$0x0], $0xffff  }
0x130: {  	v60 =	vor.u32 v3, v56;
	[tilespmem:v59+s30+$0x0] =	vst.idx.msk $0xffff, v62;
	v16 =	vld.idx.msk [tilespmem:v16+s16+$0x0], $0xffff;
	v59 =	vor.u32 v32, v12  }
0x131: {  	v61 =	vor.u32 v47, v61;
	[tilespmem:v55+s30+$0x0] =	vst.idx.msk $0xffff, v51;
	v60 =	vor.u32 v49, v60  }
0x132: {  	v51 =	vor.u32 v30, v12;
	v62 =	vor.u32 v7, v56;
	v54 =	vld.idx.msk [tilespmem:v54+s16+$0x0], $0xffff;
	v60 =	vor.u32 v26, v60  }
0x133: {  	v58 =	vor.u32 v26, v58;
	v55 =	vor.u32 v45, v62;
	v53 =	vld.idx.msk [tilespmem:v53+s16+$0x0], $0xffff;
	v62 =	vor.u32 v25, v56  }
0x134: {  	[tilespmem:v50+s30+$0x0] =	vst.idx.msk $0xffff, v15;
	v15 =	vor.u32 v48, v62;
	v48 =	vld.idx.msk [tilespmem:v57+s16+$0x0], $0xffff;
	v50 =	vor.u32 v26, v61  }
0x135: {  	v62 =	vor.u32 v36, v12;
	[tilespmem:v52+s30+$0x0] =	vst.idx.msk $0xffff, v16;
	v16 =	vld.idx.msk [tilespmem:v59+s16+$0x0], $0xffff;
	v15 =	vor.u32 v26, v15;
	_ =	sdelay $0x1  }
0x136: {  	[tilespmem:v60+s30+$0x0] =	vst.idx.msk $0xffff, v54  }
0x137: {  	v59 =	vor.u32 v38, v12;
	[tilespmem:v58+s30+$0x0] =	vst.idx.msk $0xffff, v53  }
0x138: {  	v55 =	vor.u32 v26, v55;
	v51 =	vld.idx.msk [tilespmem:v51+s16+$0x0], $0xffff;
	v61 =	vor.u32 v35, v12;
	[tilespmem:v50+s30+$0x0] =	vst.idx.msk $0xffff, v48  }
0x139: {  	v58 =	vor.u32 v10, v56;
	v48 =	vld.idx.msk [tilespmem:v62+s16+$0x0], $0xffff;
	v62 =	vor.u32 v6, v56;
	[tilespmem:v15+s30+$0x0] =	vst.idx.msk $0xffff, v16  }
0x13a: {  	v15 =	vor.u32 v13, v56;
	v16 =	vor.u32 v37, v12;
	v45 =	vor.u32 v45, v62  }
0x13b: {  	v15 =	vor.u32 v42, v15;
	v42 =	vor.u32 v44, v58;
	v44 =	vor.u32 v39, v12  }
0x13c: {  	v53 =	vor.u32 v40, v12;
	v50 =	vld.idx.msk [tilespmem:v59+s16+$0x0], $0xffff;
	v12 =	vor.u32 v41, v12;
	v45 =	vor.u32 v26, v45  }
0x13d: {  	[tilespmem:v55+s30+$0x0] =	vst.idx.msk $0xffff, v51;
	v51 =	vld.idx.msk [tilespmem:v61+s16+$0x0], $0xffff;
	v61 =	vor.u32 v8, v56;
	v15 =	vor.u32 v26, v15  }
0x13e: {  	v43 =	vor.u32 v43, v61;
	v58 =	vor.u32 v4, v56;
	v42 =	vor.u32 v26, v42  }
0x13f: {  	v61 =	vor.u32 v0, v56;
	v43 =	vor.u32 v26, v43;
	v46 =	vor.u32 v46, v58;
	v16 =	vld.idx.msk [tilespmem:v16+s16+$0x0], $0xffff  }
0x140: {  	v59 =	vor.u32 v2, v56;
	v47 =	vor.u32 v47, v61;
	v46 =	vor.u32 v26, v46;
	v44 =	vld.idx.msk [tilespmem:v44+s16+$0x0], $0xffff  }
0x141: {  	s5 =	sadd.s32 $0x20, s5;
	v49 =	vor.u32 v49, v59;
	v62 =	vor.u32 v26, v47;
	v12 =	vld.idx.msk [tilespmem:v12+s16+$0x0], $0xffff;
	[tilespmem:v45+s30+$0x0] =	vst.idx.msk $0xffff, v50  }
0x142: {  	p2 =	slt.u32 s5, $0x1E0;
	v49 =	vor.u32 v26, v49;
	[tilespmem:v15+s30+$0x0] =	vst.idx.msk $0xffff, v51;
	v15 =	vld.idx.msk [tilespmem:v53+s16+$0x0], $0xffff  }
.Ltmp6:
0x143: {  	[tilespmem:v42+s30+$0x0] =	vst.idx.msk $0xffff, v48;
	(pc) =	sbr.rel @p2 .LBB2_9-.Ltmp6, $4  }
0x144: {  	[tilespmem:v43+s30+$0x0] =	vst.idx.msk $0xffff, v16  }
0x145: {  	[tilespmem:v46+s30+$0x0] =	vst.idx.msk $0xffff, v44  }
0x146: {  	v57 =	vmov v21;
	[tilespmem:v62+s30+$0x0] =	vst.idx.msk $0xffff, v12  }
0x147: {  	s8 =	sadd.s32 $0x2, s8;
	s7 =	sadd.s32 $0x8, s7;
	v60 =	vmovc v22;
	v54 =	vmovc v18;
	v55 =	vmov v19;
	v56 =	vmov v20;
	v53 =	vld [tilespmem:$0x1FFF0];
	[tilespmem:v49+s30+$0x0] =	vst.idx.msk $0xffff, v15;
	v15 =	vmov v23  }
.Ltmp7:
0x148: {  	s5 =	rddreg [dreg:$0x5];
	(pc) =	sbr.rel @p1 .LBB2_12-.Ltmp7, $4  }
0x149: {  	s5 =	sadd.s32 s5, s14  }
0x14a: {  	s5 =	sshrl.u32 s5, $0x3  }
0x14b: {  	s5 =	sadd.s32 s2, s5  }
0x14c: {  	[hbm4b:s5+s25] =	stream.strided.scatter [tilespmem:s30], [sflag:$0x7], $0x2000, s26, s25, $0x38;
	[tilespmem:$0x1A400] =	vst v63  }
.Ltmp8:
0x14d: {  	(pc) =	sbr.rel .LBB2_13-.Ltmp8, $4  }
0x14e: {  	_ = 	snop  }
0x14f: {  	_ =	swait.ge [sflag:s31], $0x2000  }
0x150: {  	[sflag:s31] =	ssyncset.done $0x0  }
0x151: {  	[sflag:s31] =	ssyncadd.s32 $0xFFFFE000  }
.LBB2_12:
0x152: {  	s5 =	smul.u32 $0xA00, s11;
	_ =	sdelay $0x1  }
0x153: {  	s5 =	sshra.s32 s5, $0x2  }
.Ltmp9:
0x154: {  	s5 =	sadd.s32 $0x300, s5;
	(pc) =	sbr.rel @p0 .LBB2_14-.Ltmp9, $4  }
0x155: {  	[tilespmem:s16], [sflag:$0x2] =	stream.indirect.gather [hbm4b:s4+s12], $0x40, s5, s12, $0xb8;
	[tilespmem:$0x1A400] =	vst v63  }
0x156: {  	_ =	swait.ge [sflag:s31], $0x2000  }
0x157: {  	[sflag:s31] =	ssyncset.done $0x0  }
0x158: {  	[sflag:s31] =	ssyncadd.s32 $0xFFFFE000  }
.LBB2_13:
0x159: {  	_ =	swait.ge [sflag:s1], $0x2000  }
0x15a: {  	[sflag:s1] =	ssyncset.done $0x0  }
0x15b: {  	[sflag:s1] =	ssyncadd.s32 $0xFFFFE000  }
.LBB2_14:
0x15c: {  	s5 =	simm.s32 $0xFFFFFFE0;
	s7 =	simm.s32 $0x0;
	s8 =	simm.s32 $0x0;
	v17 =	vld [tilespmem:$0x1FF00]  }
.LBB2_15:
0x15d: {  	s10 =	sand.u32 $0x70, s7  }
0x15e: {  	v12 =	vmov s10  }
0x15f: {  	s9 =	sand.u32 $0x2, s8;
	v12 =	vshll.u32 v12, $0x6  }
0x160: {  	s29 =	sshll.u32 s9, $0x4;
	v12 =	vor.u32 v15, v12  }
0x161: {  	v15 =	vor.u32 s29, v12;
	s29 =	sshll.u32 s9, $0x1  }
0x162: {  	v16 =	vor.u32 v63, v15;
	v42 =	vmov s29  }
0x163: {  	v43 =	vor.u32 v27, v15;
	v50 =	vshll.u32 v42, $0xA  }
0x164: {  	v48 =	vor.u32 s10, v53;
	v42 =	vor.u32 v24, v50  }
0x165: {  	v42 =	vor.u32 v48, v42  }
0x166: {  	v44 =	vor.u32 v14, v50;
	v45 =	vor.u32 v26, v42;
	v42 =	vor.u32 s10, v54  }
0x167: {  	v63 =	vor.u32 v30, v15;
	v16 =	vld.idx.msk [tilespmem:v16+s18+$0x0], $0xffff;
	v44 =	vor.u32 v42, v44  }
0x168: {  	v46 =	vld.idx.msk [tilespmem:v43+s18+$0x0], $0xffff;
	v47 =	vor.u32 v26, v44  }
0x169: {  	v49 =	vor.u32 v28, v15;
	v61 =	vor.u32 v11, v50;
	v62 =	vor.u32 v9, v50  }
0x16a: {  	v59 =	vor.u32 v7, v50;
	v43 =	vor.u32 s10, v56;
	v44 =	vor.u32 s10, v55  }
0x16b: {  	v52 =	vor.u32 v43, v62;
	v55 =	vor.u32 v33, v15;
	v62 =	vor.u32 v5, v50  }
0x16c: {  	v53 =	vld.idx.msk [tilespmem:v63+s18+$0x0], $0xffff;
	v51 =	vor.u32 v44, v61;
	[tilespmem:v45+s0+$0x0] =	vst.idx.msk $0xffff, v16;
	v16 =	vor.u32 v29, v15  }
0x16d: {  	v63 =	vld [tilespmem:$0x1FEF0];
	v51 =	vor.u32 v26, v51;
	[tilespmem:v47+s0+$0x0] =	vst.idx.msk $0xffff, v46;
	v47 =	vor.u32 v31, v15  }
0x16e: {  	v45 =	vor.u32 s10, v57;
	v57 =	vor.u32 v34, v15;
	v46 =	vor.u32 s10, v60  }
0x16f: {  	v56 =	vld.idx.msk [tilespmem:v49+s18+$0x0], $0xffff;
	v61 =	vor.u32 v45, v59;
	v60 =	vor.u32 v3, v50;
	v49 =	vor.u32 v46, v62  }
0x170: {  	v55 =	vld.idx.msk [tilespmem:v55+s18+$0x0], $0xffff;
	v54 =	vor.u32 v26, v61;
	v59 =	vor.u32 v26, v49;
	v49 =	vor.u32 s10, v17  }
0x171: {  	v58 =	vor.u32 v32, v15;
	v52 =	vor.u32 v26, v52;
	v60 =	vor.u32 v49, v60;
	v16 =	vld.idx.msk [tilespmem:v16+s18+$0x0], $0xffff  }
0x172: {  	v62 =	vor.u32 v1, v50;
	v60 =	vor.u32 v26, v60;
	v61 =	vld.idx.msk [tilespmem:v47+s18+$0x0], $0xffff;
	v47 =	vor.u32 s10, v63  }
0x173: {  	v62 =	vor.u32 v47, v62  }
0x174: {  	[tilespmem:v51+s0+$0x0] =	vst.idx.msk $0xffff, v56;
	v51 =	vld.idx.msk [tilespmem:v57+s18+$0x0], $0xffff;
	v63 =	vor.u32 v25, v50;
	v56 =	vor.u32 v26, v62  }
0x175: {  	v57 =	vor.u32 v48, v63;
	[tilespmem:v54+s0+$0x0] =	vst.idx.msk $0xffff, v53  }
0x176: {  	[tilespmem:v52+s0+$0x0] =	vst.idx.msk $0xffff, v16;
	v16 =	vld.idx.msk [tilespmem:v58+s18+$0x0], $0xffff;
	v52 =	vor.u32 v26, v57;
	v57 =	vor.u32 v35, v15  }
0x177: {  	v54 =	vor.u32 v37, v15;
	[tilespmem:v60+s0+$0x0] =	vst.idx.msk $0xffff, v55  }
0x178: {  	v62 =	vor.u32 v13, v50;
	[tilespmem:v59+s0+$0x0] =	vst.idx.msk $0xffff, v61;
	v61 =	vor.u32 v36, v15  }
0x179: {  	v58 =	vor.u32 v10, v50;
	[tilespmem:v56+s0+$0x0] =	vst.idx.msk $0xffff, v51;
	v56 =	vor.u32 v42, v62  }
0x17a: {  	v60 =	vor.u32 v6, v50;
	v51 =	vor.u32 v26, v56;
	v56 =	vor.u32 v38, v15  }
0x17b: {  	[tilespmem:v52+s0+$0x0] =	vst.idx.msk $0xffff, v16;
	v16 =	vld.idx.msk [tilespmem:v57+s18+$0x0], $0xffff;
	v52 =	vor.u32 v44, v58;
	v58 =	vor.u32 v39, v15  }
0x17c: {  	s9 =	sor.u32 $0x1, s9;
	v57 =	vor.u32 v45, v60;
	v60 =	vor.u32 v40, v15;
	v15 =	vor.u32 v41, v15  }
0x17d: {  	s29 =	sshll.u32 s9, $0x4;
	v59 =	vor.u32 v8, v50;
	v53 =	vld.idx.msk [tilespmem:v61+s18+$0x0], $0xffff;
	v52 =	vor.u32 v26, v52  }
0x17e: {  	v12 =	vor.u32 s29, v12;
	v55 =	vor.u32 v43, v59  }
0x17f: {  	v59 =	vor.u32 v4, v50;
	v61 =	vor.u32 v2, v50;
	v50 =	vor.u32 v0, v50  }
0x180: {  	v63 =	vlaneseq.u32;
	v55 =	vor.u32 v26, v55;
	v50 =	vor.u32 v47, v50;
	[tilespmem:v51+s0+$0x0] =	vst.idx.msk $0xffff, v16;
	v51 =	vld.idx.msk [tilespmem:v54+s18+$0x0], $0xffff  }
0x181: {  	s9 =	sshll.u32 s9, $0x1;
	v50 =	vor.u32 v26, v50;
	v16 =	vor.u32 v46, v59;
	v54 =	vor.u32 v26, v57;
	v15 =	vld.idx.msk [tilespmem:v15+s18+$0x0], $0xffff  }
0x182: {  	v62 =	vmov s9;
	v57 =	vor.u32 v63, v12;
	v59 =	vor.u32 v27, v12;
	[tilespmem:v52+s0+$0x0] =	vst.idx.msk $0xffff, v53;
	v52 =	vld.idx.msk [tilespmem:v56+s18+$0x0], $0xffff  }
0x183: {  	v58 =	vld.idx.msk [tilespmem:v58+s18+$0x0], $0xffff;
	v16 =	vor.u32 v26, v16;
	v53 =	vor.u32 v49, v61;
	v56 =	vshll.u32 v62, $0xA  }
0x184: {  	v60 =	vld.idx.msk [tilespmem:v60+s18+$0x0], $0xffff;
	v53 =	vor.u32 v26, v53;
	v61 =	vor.u32 v24, v56  }
0x185: {  	v62 =	vor.u32 v14, v56;
	v61 =	vor.u32 v48, v61;
	[tilespmem:v55+s0+$0x0] =	vst.idx.msk $0xffff, v51  }
0x186: {  	v55 =	vor.u32 v26, v61;
	v61 =	vor.u32 v42, v62;
	[tilespmem:v50+s0+$0x0] =	vst.idx.msk $0xffff, v15  }
0x187: {  	v51 =	vld.idx.msk [tilespmem:v57+s18+$0x0], $0xffff;
	v15 =	vor.u32 v28, v12;
	v57 =	vor.u32 v34, v12;
	[tilespmem:v54+s0+$0x0] =	vst.idx.msk $0xffff, v52  }
0x188: {  	v62 =	vld.idx.msk [tilespmem:v59+s18+$0x0], $0xffff;
	v59 =	vor.u32 v26, v61;
	[tilespmem:v16+s0+$0x0] =	vst.idx.msk $0xffff, v58;
	v16 =	vor.u32 v29, v12  }
0x189: {  	v61 =	vor.u32 v9, v56;
	v54 =	vor.u32 v33, v12;
	[tilespmem:v53+s0+$0x0] =	vst.idx.msk $0xffff, v60  }
0x18a: {  	v60 =	vor.u32 v11, v56;
	v53 =	vor.u32 v31, v12;
	v52 =	vor.u32 v43, v61  }
0x18b: {  	v61 =	vor.u32 v1, v56;
	v50 =	vor.u32 v44, v60;
	v60 =	vor.u32 v5, v56  }
0x18c: {  	v52 =	vor.u32 v26, v52;
	v50 =	vor.u32 v26, v50;
	v58 =	vor.u32 v46, v60;
	v15 =	vld.idx.msk [tilespmem:v15+s18+$0x0], $0xffff  }
0x18d: {  	v60 =	vor.u32 v3, v56;
	[tilespmem:v59+s0+$0x0] =	vst.idx.msk $0xffff, v62;
	v16 =	vld.idx.msk [tilespmem:v16+s18+$0x0], $0xffff;
	v59 =	vor.u32 v32, v12  }
0x18e: {  	v61 =	vor.u32 v47, v61;
	[tilespmem:v55+s0+$0x0] =	vst.idx.msk $0xffff, v51;
	v60 =	vor.u32 v49, v60  }
0x18f: {  	v51 =	vor.u32 v30, v12;
	v62 =	vor.u32 v7, v56;
	v54 =	vld.idx.msk [tilespmem:v54+s18+$0x0], $0xffff;
	v60 =	vor.u32 v26, v60  }
0x190: {  	v58 =	vor.u32 v26, v58;
	v55 =	vor.u32 v45, v62;
	v53 =	vld.idx.msk [tilespmem:v53+s18+$0x0], $0xffff;
	v62 =	vor.u32 v25, v56  }
0x191: {  	[tilespmem:v50+s0+$0x0] =	vst.idx.msk $0xffff, v15;
	v15 =	vor.u32 v48, v62;
	v48 =	vld.idx.msk [tilespmem:v57+s18+$0x0], $0xffff;
	v50 =	vor.u32 v26, v61  }
0x192: {  	v62 =	vor.u32 v36, v12;
	[tilespmem:v52+s0+$0x0] =	vst.idx.msk $0xffff, v16;
	v16 =	vld.idx.msk [tilespmem:v59+s18+$0x0], $0xffff;
	v15 =	vor.u32 v26, v15;
	_ =	sdelay $0x1  }
0x193: {  	[tilespmem:v60+s0+$0x0] =	vst.idx.msk $0xffff, v54  }
0x194: {  	v59 =	vor.u32 v38, v12;
	[tilespmem:v58+s0+$0x0] =	vst.idx.msk $0xffff, v53  }
0x195: {  	v55 =	vor.u32 v26, v55;
	v51 =	vld.idx.msk [tilespmem:v51+s18+$0x0], $0xffff;
	v61 =	vor.u32 v35, v12;
	[tilespmem:v50+s0+$0x0] =	vst.idx.msk $0xffff, v48  }
0x196: {  	v58 =	vor.u32 v10, v56;
	v48 =	vld.idx.msk [tilespmem:v62+s18+$0x0], $0xffff;
	v62 =	vor.u32 v6, v56;
	[tilespmem:v15+s0+$0x0] =	vst.idx.msk $0xffff, v16  }
0x197: {  	v15 =	vor.u32 v13, v56;
	v16 =	vor.u32 v37, v12;
	v45 =	vor.u32 v45, v62  }
0x198: {  	v15 =	vor.u32 v42, v15;
	v42 =	vor.u32 v44, v58;
	v44 =	vor.u32 v39, v12  }
0x199: {  	v53 =	vor.u32 v40, v12;
	v50 =	vld.idx.msk [tilespmem:v59+s18+$0x0], $0xffff;
	v12 =	vor.u32 v41, v12;
	v45 =	vor.u32 v26, v45  }
0x19a: {  	[tilespmem:v55+s0+$0x0] =	vst.idx.msk $0xffff, v51;
	v51 =	vld.idx.msk [tilespmem:v61+s18+$0x0], $0xffff;
	v61 =	vor.u32 v8, v56;
	v15 =	vor.u32 v26, v15  }
0x19b: {  	v43 =	vor.u32 v43, v61;
	v58 =	vor.u32 v4, v56;
	v42 =	vor.u32 v26, v42  }
0x19c: {  	v61 =	vor.u32 v0, v56;
	v43 =	vor.u32 v26, v43;
	v46 =	vor.u32 v46, v58;
	v16 =	vld.idx.msk [tilespmem:v16+s18+$0x0], $0xffff  }
0x19d: {  	v59 =	vor.u32 v2, v56;
	v47 =	vor.u32 v47, v61;
	v46 =	vor.u32 v26, v46;
	v44 =	vld.idx.msk [tilespmem:v44+s18+$0x0], $0xffff  }
0x19e: {  	s5 =	sadd.s32 $0x20, s5;
	v49 =	vor.u32 v49, v59;
	v62 =	vor.u32 v26, v47;
	v12 =	vld.idx.msk [tilespmem:v12+s18+$0x0], $0xffff;
	[tilespmem:v45+s0+$0x0] =	vst.idx.msk $0xffff, v50  }
0x19f: {  	p2 =	slt.u32 s5, $0x1E0;
	v49 =	vor.u32 v26, v49;
	[tilespmem:v15+s0+$0x0] =	vst.idx.msk $0xffff, v51;
	v15 =	vld.idx.msk [tilespmem:v53+s18+$0x0], $0xffff  }
.Ltmp10:
0x1a0: {  	[tilespmem:v42+s0+$0x0] =	vst.idx.msk $0xffff, v48;
	(pc) =	sbr.rel @p2 .LBB2_15-.Ltmp10, $4  }
0x1a1: {  	[tilespmem:v43+s0+$0x0] =	vst.idx.msk $0xffff, v16  }
0x1a2: {  	[tilespmem:v46+s0+$0x0] =	vst.idx.msk $0xffff, v44  }
0x1a3: {  	v57 =	vmov v21;
	[tilespmem:v62+s0+$0x0] =	vst.idx.msk $0xffff, v12  }
0x1a4: {  	s8 =	sadd.s32 $0x2, s8;
	s7 =	sadd.s32 $0x8, s7;
	v60 =	vmovc v22;
	v54 =	vmovc v18;
	v55 =	vmov v19;
	v56 =	vmov v20;
	v53 =	vld [tilespmem:$0x1FFF0];
	[tilespmem:v49+s0+$0x0] =	vst.idx.msk $0xffff, v15;
	v15 =	vmov v23  }
.Ltmp11:
0x1a5: {  	s5 =	rddreg [dreg:$0x6];
	(pc) =	sbr.rel @p1 .LBB2_18-.Ltmp11, $4  }
0x1a6: {  	s5 =	sadd.s32 s5, s14  }
0x1a7: {  	s5 =	sshrl.u32 s5, $0x3  }
0x1a8: {  	s5 =	sadd.s32 s2, s5  }
0x1a9: {  	[hbm4b:s5+s25] =	stream.strided.scatter [tilespmem:s0], [sflag:$0x8], $0x2000, s26, s25, $0x38;
	[tilespmem:$0x1A400] =	vst v63  }
.Ltmp12:
0x1aa: {  	(pc) =	sbr.rel .LBB2_19-.Ltmp12, $4  }
0x1ab: {  	_ = 	snop  }
0x1ac: {  	_ =	swait.ge [sflag:s13], $0x2000  }
0x1ad: {  	[sflag:s13] =	ssyncset.done $0x0  }
0x1ae: {  	[sflag:s13] =	ssyncadd.s32 $0xFFFFE000  }
.LBB2_18:
0x1af: {  	s5 =	smul.u32 $0xA00, s11;
	_ =	sdelay $0x1  }
0x1b0: {  	s5 =	sshra.s32 s5, $0x2  }
.Ltmp13:
0x1b1: {  	s5 =	sadd.s32 $0x380, s5;
	(pc) =	sbr.rel @p0 .LBB2_20-.Ltmp13, $4  }
0x1b2: {  	[tilespmem:s18], [sflag:$0x3] =	stream.indirect.gather [hbm4b:s4+s12], $0x40, s5, s12, $0xb8;
	[tilespmem:$0x1A400] =	vst v63  }
0x1b3: {  	_ =	swait.ge [sflag:s13], $0x2000  }
0x1b4: {  	[sflag:s13] =	ssyncset.done $0x0  }
0x1b5: {  	[sflag:s13] =	ssyncadd.s32 $0xFFFFE000  }
.LBB2_19:
0x1b6: {  	_ =	swait.ge [sflag:s17], $0x2000  }
0x1b7: {  	[sflag:s17] =	ssyncset.done $0x0  }
0x1b8: {  	[sflag:s17] =	ssyncadd.s32 $0xFFFFE000  }
.LBB2_20:
0x1b9: {  	s5 =	simm.s32 $0xFFFFFFE0;
	s7 =	simm.s32 $0x0;
	s8 =	simm.s32 $0x0;
	v17 =	vld [tilespmem:$0x1FF00]  }
.LBB2_21:
0x1ba: {  	s10 =	sand.u32 $0x70, s7  }
0x1bb: {  	v12 =	vmov s10  }
0x1bc: {  	s9 =	sand.u32 $0x2, s8;
	v12 =	vshll.u32 v12, $0x6  }
0x1bd: {  	s29 =	sshll.u32 s9, $0x4;
	v12 =	vor.u32 v15, v12  }
0x1be: {  	v15 =	vor.u32 s29, v12;
	s29 =	sshll.u32 s9, $0x1  }
0x1bf: {  	v16 =	vor.u32 v63, v15;
	v42 =	vmov s29  }
0x1c0: {  	v43 =	vor.u32 v27, v15;
	v50 =	vshll.u32 v42, $0xA  }
0x1c1: {  	v48 =	vor.u32 s10, v53;
	v42 =	vor.u32 v24, v50  }
0x1c2: {  	v42 =	vor.u32 v48, v42  }
0x1c3: {  	v44 =	vor.u32 v14, v50;
	v45 =	vor.u32 v26, v42;
	v42 =	vor.u32 s10, v54  }
0x1c4: {  	v63 =	vor.u32 v30, v15;
	v16 =	vld.idx.msk [tilespmem:v16+s20+$0x0], $0xffff;
	v44 =	vor.u32 v42, v44  }
0x1c5: {  	v46 =	vld.idx.msk [tilespmem:v43+s20+$0x0], $0xffff;
	v47 =	vor.u32 v26, v44  }
0x1c6: {  	v49 =	vor.u32 v28, v15;
	v61 =	vor.u32 v11, v50;
	v62 =	vor.u32 v9, v50  }
0x1c7: {  	v59 =	vor.u32 v7, v50;
	v43 =	vor.u32 s10, v56;
	v44 =	vor.u32 s10, v55  }
0x1c8: {  	v52 =	vor.u32 v43, v62;
	v55 =	vor.u32 v33, v15;
	v62 =	vor.u32 v5, v50  }
0x1c9: {  	v53 =	vld.idx.msk [tilespmem:v63+s20+$0x0], $0xffff;
	v51 =	vor.u32 v44, v61;
	[tilespmem:v45+s19+$0x0] =	vst.idx.msk $0xffff, v16;
	v16 =	vor.u32 v29, v15  }
0x1ca: {  	v63 =	vld [tilespmem:$0x1FEF0];
	v51 =	vor.u32 v26, v51;
	[tilespmem:v47+s19+$0x0] =	vst.idx.msk $0xffff, v46;
	v47 =	vor.u32 v31, v15  }
0x1cb: {  	v45 =	vor.u32 s10, v57;
	v57 =	vor.u32 v34, v15;
	v46 =	vor.u32 s10, v60  }
0x1cc: {  	v56 =	vld.idx.msk [tilespmem:v49+s20+$0x0], $0xffff;
	v61 =	vor.u32 v45, v59;
	v60 =	vor.u32 v3, v50;
	v49 =	vor.u32 v46, v62  }
0x1cd: {  	v55 =	vld.idx.msk [tilespmem:v55+s20+$0x0], $0xffff;
	v54 =	vor.u32 v26, v61;
	v59 =	vor.u32 v26, v49;
	v49 =	vor.u32 s10, v17  }
0x1ce: {  	v58 =	vor.u32 v32, v15;
	v52 =	vor.u32 v26, v52;
	v60 =	vor.u32 v49, v60;
	v16 =	vld.idx.msk [tilespmem:v16+s20+$0x0], $0xffff  }
0x1cf: {  	v62 =	vor.u32 v1, v50;
	v60 =	vor.u32 v26, v60;
	v61 =	vld.idx.msk [tilespmem:v47+s20+$0x0], $0xffff;
	v47 =	vor.u32 s10, v63  }
0x1d0: {  	v62 =	vor.u32 v47, v62  }
0x1d1: {  	[tilespmem:v51+s19+$0x0] =	vst.idx.msk $0xffff, v56;
	v51 =	vld.idx.msk [tilespmem:v57+s20+$0x0], $0xffff;
	v63 =	vor.u32 v25, v50;
	v56 =	vor.u32 v26, v62  }
0x1d2: {  	v57 =	vor.u32 v48, v63;
	[tilespmem:v54+s19+$0x0] =	vst.idx.msk $0xffff, v53  }
0x1d3: {  	[tilespmem:v52+s19+$0x0] =	vst.idx.msk $0xffff, v16;
	v16 =	vld.idx.msk [tilespmem:v58+s20+$0x0], $0xffff;
	v52 =	vor.u32 v26, v57;
	v57 =	vor.u32 v35, v15  }
0x1d4: {  	v54 =	vor.u32 v37, v15;
	[tilespmem:v60+s19+$0x0] =	vst.idx.msk $0xffff, v55  }
0x1d5: {  	v62 =	vor.u32 v13, v50;
	[tilespmem:v59+s19+$0x0] =	vst.idx.msk $0xffff, v61;
	v61 =	vor.u32 v36, v15  }
0x1d6: {  	v58 =	vor.u32 v10, v50;
	[tilespmem:v56+s19+$0x0] =	vst.idx.msk $0xffff, v51;
	v56 =	vor.u32 v42, v62  }
0x1d7: {  	v60 =	vor.u32 v6, v50;
	v51 =	vor.u32 v26, v56;
	v56 =	vor.u32 v38, v15  }
0x1d8: {  	[tilespmem:v52+s19+$0x0] =	vst.idx.msk $0xffff, v16;
	v16 =	vld.idx.msk [tilespmem:v57+s20+$0x0], $0xffff;
	v52 =	vor.u32 v44, v58;
	v58 =	vor.u32 v39, v15  }
0x1d9: {  	s9 =	sor.u32 $0x1, s9;
	v57 =	vor.u32 v45, v60;
	v60 =	vor.u32 v40, v15;
	v15 =	vor.u32 v41, v15  }
0x1da: {  	s29 =	sshll.u32 s9, $0x4;
	v59 =	vor.u32 v8, v50;
	v53 =	vld.idx.msk [tilespmem:v61+s20+$0x0], $0xffff;
	v52 =	vor.u32 v26, v52  }
0x1db: {  	v12 =	vor.u32 s29, v12;
	v55 =	vor.u32 v43, v59  }
0x1dc: {  	v59 =	vor.u32 v4, v50;
	v61 =	vor.u32 v2, v50;
	v50 =	vor.u32 v0, v50  }
0x1dd: {  	v63 =	vlaneseq.u32;
	v55 =	vor.u32 v26, v55;
	v50 =	vor.u32 v47, v50;
	[tilespmem:v51+s19+$0x0] =	vst.idx.msk $0xffff, v16;
	v51 =	vld.idx.msk [tilespmem:v54+s20+$0x0], $0xffff  }
0x1de: {  	s9 =	sshll.u32 s9, $0x1;
	v50 =	vor.u32 v26, v50;
	v16 =	vor.u32 v46, v59;
	v54 =	vor.u32 v26, v57;
	v15 =	vld.idx.msk [tilespmem:v15+s20+$0x0], $0xffff  }
0x1df: {  	v62 =	vmov s9;
	v57 =	vor.u32 v63, v12;
	v59 =	vor.u32 v27, v12;
	[tilespmem:v52+s19+$0x0] =	vst.idx.msk $0xffff, v53;
	v52 =	vld.idx.msk [tilespmem:v56+s20+$0x0], $0xffff  }
0x1e0: {  	v58 =	vld.idx.msk [tilespmem:v58+s20+$0x0], $0xffff;
	v16 =	vor.u32 v26, v16;
	v53 =	vor.u32 v49, v61;
	v56 =	vshll.u32 v62, $0xA  }
0x1e1: {  	v60 =	vld.idx.msk [tilespmem:v60+s20+$0x0], $0xffff;
	v53 =	vor.u32 v26, v53;
	v61 =	vor.u32 v24, v56  }
0x1e2: {  	v62 =	vor.u32 v14, v56;
	v61 =	vor.u32 v48, v61;
	[tilespmem:v55+s19+$0x0] =	vst.idx.msk $0xffff, v51  }
0x1e3: {  	v55 =	vor.u32 v26, v61;
	v61 =	vor.u32 v42, v62;
	[tilespmem:v50+s19+$0x0] =	vst.idx.msk $0xffff, v15  }
0x1e4: {  	v51 =	vld.idx.msk [tilespmem:v57+s20+$0x0], $0xffff;
	v15 =	vor.u32 v28, v12;
	v57 =	vor.u32 v34, v12;
	[tilespmem:v54+s19+$0x0] =	vst.idx.msk $0xffff, v52  }
0x1e5: {  	v62 =	vld.idx.msk [tilespmem:v59+s20+$0x0], $0xffff;
	v59 =	vor.u32 v26, v61;
	[tilespmem:v16+s19+$0x0] =	vst.idx.msk $0xffff, v58;
	v16 =	vor.u32 v29, v12  }
0x1e6: {  	v61 =	vor.u32 v9, v56;
	v54 =	vor.u32 v33, v12;
	[tilespmem:v53+s19+$0x0] =	vst.idx.msk $0xffff, v60  }
0x1e7: {  	v60 =	vor.u32 v11, v56;
	v53 =	vor.u32 v31, v12;
	v52 =	vor.u32 v43, v61  }
0x1e8: {  	v61 =	vor.u32 v1, v56;
	v50 =	vor.u32 v44, v60;
	v60 =	vor.u32 v5, v56  }
0x1e9: {  	v52 =	vor.u32 v26, v52;
	v50 =	vor.u32 v26, v50;
	v58 =	vor.u32 v46, v60;
	v15 =	vld.idx.msk [tilespmem:v15+s20+$0x0], $0xffff  }
0x1ea: {  	v60 =	vor.u32 v3, v56;
	[tilespmem:v59+s19+$0x0] =	vst.idx.msk $0xffff, v62;
	v16 =	vld.idx.msk [tilespmem:v16+s20+$0x0], $0xffff;
	v59 =	vor.u32 v32, v12  }
0x1eb: {  	v61 =	vor.u32 v47, v61;
	[tilespmem:v55+s19+$0x0] =	vst.idx.msk $0xffff, v51;
	v60 =	vor.u32 v49, v60  }
0x1ec: {  	v51 =	vor.u32 v30, v12;
	v62 =	vor.u32 v7, v56;
	v54 =	vld.idx.msk [tilespmem:v54+s20+$0x0], $0xffff;
	v60 =	vor.u32 v26, v60  }
0x1ed: {  	v58 =	vor.u32 v26, v58;
	v55 =	vor.u32 v45, v62;
	v53 =	vld.idx.msk [tilespmem:v53+s20+$0x0], $0xffff;
	v62 =	vor.u32 v25, v56  }
0x1ee: {  	[tilespmem:v50+s19+$0x0] =	vst.idx.msk $0xffff, v15;
	v15 =	vor.u32 v48, v62;
	v48 =	vld.idx.msk [tilespmem:v57+s20+$0x0], $0xffff;
	v50 =	vor.u32 v26, v61  }
0x1ef: {  	v62 =	vor.u32 v36, v12;
	[tilespmem:v52+s19+$0x0] =	vst.idx.msk $0xffff, v16;
	v16 =	vld.idx.msk [tilespmem:v59+s20+$0x0], $0xffff;
	v15 =	vor.u32 v26, v15;
	_ =	sdelay $0x1  }
0x1f0: {  	[tilespmem:v60+s19+$0x0] =	vst.idx.msk $0xffff, v54  }
0x1f1: {  	v59 =	vor.u32 v38, v12;
	[tilespmem:v58+s19+$0x0] =	vst.idx.msk $0xffff, v53  }
0x1f2: {  	v55 =	vor.u32 v26, v55;
	v51 =	vld.idx.msk [tilespmem:v51+s20+$0x0], $0xffff;
	v61 =	vor.u32 v35, v12;
	[tilespmem:v50+s19+$0x0] =	vst.idx.msk $0xffff, v48  }
0x1f3: {  	v58 =	vor.u32 v10, v56;
	v48 =	vld.idx.msk [tilespmem:v62+s20+$0x0], $0xffff;
	v62 =	vor.u32 v6, v56;
	[tilespmem:v15+s19+$0x0] =	vst.idx.msk $0xffff, v16  }
0x1f4: {  	v15 =	vor.u32 v13, v56;
	v16 =	vor.u32 v37, v12;
	v45 =	vor.u32 v45, v62  }
0x1f5: {  	v15 =	vor.u32 v42, v15;
	v42 =	vor.u32 v44, v58;
	v44 =	vor.u32 v39, v12  }
0x1f6: {  	v53 =	vor.u32 v40, v12;
	v50 =	vld.idx.msk [tilespmem:v59+s20+$0x0], $0xffff;
	v12 =	vor.u32 v41, v12;
	v45 =	vor.u32 v26, v45  }
0x1f7: {  	[tilespmem:v55+s19+$0x0] =	vst.idx.msk $0xffff, v51;
	v51 =	vld.idx.msk [tilespmem:v61+s20+$0x0], $0xffff;
	v61 =	vor.u32 v8, v56;
	v15 =	vor.u32 v26, v15  }
0x1f8: {  	v43 =	vor.u32 v43, v61;
	v58 =	vor.u32 v4, v56;
	v42 =	vor.u32 v26, v42  }
0x1f9: {  	v61 =	vor.u32 v0, v56;
	v43 =	vor.u32 v26, v43;
	v46 =	vor.u32 v46, v58;
	v16 =	vld.idx.msk [tilespmem:v16+s20+$0x0], $0xffff  }
0x1fa: {  	v59 =	vor.u32 v2, v56;
	v47 =	vor.u32 v47, v61;
	v46 =	vor.u32 v26, v46;
	v44 =	vld.idx.msk [tilespmem:v44+s20+$0x0], $0xffff  }
0x1fb: {  	s5 =	sadd.s32 $0x20, s5;
	v49 =	vor.u32 v49, v59;
	v62 =	vor.u32 v26, v47;
	v12 =	vld.idx.msk [tilespmem:v12+s20+$0x0], $0xffff;
	[tilespmem:v45+s19+$0x0] =	vst.idx.msk $0xffff, v50  }
0x1fc: {  	p2 =	slt.u32 s5, $0x1E0;
	v49 =	vor.u32 v26, v49;
	[tilespmem:v15+s19+$0x0] =	vst.idx.msk $0xffff, v51;
	v15 =	vld.idx.msk [tilespmem:v53+s20+$0x0], $0xffff  }
.Ltmp14:
0x1fd: {  	[tilespmem:v42+s19+$0x0] =	vst.idx.msk $0xffff, v48;
	(pc) =	sbr.rel @p2 .LBB2_21-.Ltmp14, $4  }
0x1fe: {  	[tilespmem:v43+s19+$0x0] =	vst.idx.msk $0xffff, v16  }
0x1ff: {  	[tilespmem:v46+s19+$0x0] =	vst.idx.msk $0xffff, v44  }
0x200: {  	v57 =	vmov v21;
	[tilespmem:v62+s19+$0x0] =	vst.idx.msk $0xffff, v12  }
0x201: {  	s8 =	sadd.s32 $0x2, s8;
	s7 =	sadd.s32 $0x8, s7;
	v60 =	vmovc v22;
	v54 =	vmovc v18;
	v55 =	vmov v19;
	v56 =	vmov v20;
	v53 =	vld [tilespmem:$0x1FFF0];
	[tilespmem:v49+s19+$0x0] =	vst.idx.msk $0xffff, v15;
	v15 =	vmov v23  }
.Ltmp15:
0x202: {  	s5 =	rddreg [dreg:$0x7];
	(pc) =	sbr.rel @p1 .LBB2_24-.Ltmp15, $4  }
0x203: {  	s5 =	sadd.s32 s5, s14  }
0x204: {  	s5 =	sshrl.u32 s5, $0x3  }
0x205: {  	s5 =	sadd.s32 s2, s5  }
0x206: {  	[hbm4b:s5+s25] =	stream.strided.scatter [tilespmem:s19], [sflag:$0x9], $0x2000, s26, s25, $0x38;
	[tilespmem:$0x1A400] =	vst v63  }
.Ltmp16:
0x207: {  	(pc) =	sbr.rel .LBB2_25-.Ltmp16, $4  }
0x208: {  	_ = 	snop  }
0x209: {  	_ =	swait.ge [sflag:s21], $0x2000  }
0x20a: {  	[sflag:s21] =	ssyncset.done $0x0  }
0x20b: {  	[sflag:s21] =	ssyncadd.s32 $0xFFFFE000  }
.LBB2_24:
0x20c: {  	s5 =	smul.u32 $0xA00, s11;
	_ =	sdelay $0x1  }
0x20d: {  	s5 =	sshra.s32 s5, $0x2  }
.Ltmp17:
0x20e: {  	s5 =	sadd.s32 $0x400, s5;
	(pc) =	sbr.rel @p0 .LBB2_26-.Ltmp17, $4  }
0x20f: {  	[tilespmem:s20], [sflag:$0x4] =	stream.indirect.gather [hbm4b:s4+s12], $0x40, s5, s12, $0xb8;
	[tilespmem:$0x1A400] =	vst v63  }
0x210: {  	_ =	swait.ge [sflag:s21], $0x2000  }
0x211: {  	[sflag:s21] =	ssyncset.done $0x0  }
0x212: {  	[sflag:s21] =	ssyncadd.s32 $0xFFFFE000  }
.LBB2_25:
0x213: {  	_ =	swait.ge [sflag:s3], $0x2000  }
0x214: {  	[sflag:s3] =	ssyncset.done $0x0  }
0x215: {  	[sflag:s3] =	ssyncadd.s32 $0xFFFFE000  }
.LBB2_26:
0x216: {  	s5 =	simm.s32 $0xFFFFFFE0;
	s7 =	simm.s32 $0x0;
	s8 =	simm.s32 $0x0;
	v17 =	vld [tilespmem:$0x1FF00]  }
.LBB2_27:
0x217: {  	s10 =	sand.u32 $0x70, s7  }
0x218: {  	v12 =	vmov s10  }
0x219: {  	s9 =	sand.u32 $0x2, s8;
	v12 =	vshll.u32 v12, $0x6  }
0x21a: {  	s29 =	sshll.u32 s9, $0x4;
	v12 =	vor.u32 v15, v12  }
0x21b: {  	v15 =	vor.u32 s29, v12;
	s29 =	sshll.u32 s9, $0x1  }
0x21c: {  	v16 =	vor.u32 v63, v15;
	v42 =	vmov s29  }
0x21d: {  	v43 =	vor.u32 v27, v15;
	v50 =	vshll.u32 v42, $0xA  }
0x21e: {  	v48 =	vor.u32 s10, v53;
	v42 =	vor.u32 v24, v50  }
0x21f: {  	v42 =	vor.u32 v48, v42  }
0x220: {  	v44 =	vor.u32 v14, v50;
	v45 =	vor.u32 v26, v42;
	v42 =	vor.u32 s10, v54  }
0x221: {  	v63 =	vor.u32 v30, v15;
	v16 =	vld.idx.msk [tilespmem:v16+s22+$0x0], $0xffff;
	v44 =	vor.u32 v42, v44  }
0x222: {  	v46 =	vld.idx.msk [tilespmem:v43+s22+$0x0], $0xffff;
	v47 =	vor.u32 v26, v44  }
0x223: {  	v49 =	vor.u32 v28, v15;
	v61 =	vor.u32 v11, v50;
	v62 =	vor.u32 v9, v50  }
0x224: {  	v59 =	vor.u32 v7, v50;
	v43 =	vor.u32 s10, v56;
	v44 =	vor.u32 s10, v55  }
0x225: {  	v52 =	vor.u32 v43, v62;
	v55 =	vor.u32 v33, v15;
	v62 =	vor.u32 v5, v50  }
0x226: {  	v53 =	vld.idx.msk [tilespmem:v63+s22+$0x0], $0xffff;
	v51 =	vor.u32 v44, v61;
	[tilespmem:v45+s6+$0x0] =	vst.idx.msk $0xffff, v16;
	v16 =	vor.u32 v29, v15  }
0x227: {  	v63 =	vld [tilespmem:$0x1FEF0];
	v51 =	vor.u32 v26, v51;
	[tilespmem:v47+s6+$0x0] =	vst.idx.msk $0xffff, v46;
	v47 =	vor.u32 v31, v15  }
0x228: {  	v45 =	vor.u32 s10, v57;
	v57 =	vor.u32 v34, v15;
	v46 =	vor.u32 s10, v60  }
0x229: {  	v56 =	vld.idx.msk [tilespmem:v49+s22+$0x0], $0xffff;
	v61 =	vor.u32 v45, v59;
	v60 =	vor.u32 v3, v50;
	v49 =	vor.u32 v46, v62  }
0x22a: {  	v55 =	vld.idx.msk [tilespmem:v55+s22+$0x0], $0xffff;
	v54 =	vor.u32 v26, v61;
	v59 =	vor.u32 v26, v49;
	v49 =	vor.u32 s10, v17  }
0x22b: {  	v58 =	vor.u32 v32, v15;
	v52 =	vor.u32 v26, v52;
	v60 =	vor.u32 v49, v60;
	v16 =	vld.idx.msk [tilespmem:v16+s22+$0x0], $0xffff  }
0x22c: {  	v62 =	vor.u32 v1, v50;
	v60 =	vor.u32 v26, v60;
	v61 =	vld.idx.msk [tilespmem:v47+s22+$0x0], $0xffff;
	v47 =	vor.u32 s10, v63  }
0x22d: {  	v62 =	vor.u32 v47, v62  }
0x22e: {  	[tilespmem:v51+s6+$0x0] =	vst.idx.msk $0xffff, v56;
	v51 =	vld.idx.msk [tilespmem:v57+s22+$0x0], $0xffff;
	v63 =	vor.u32 v25, v50;
	v56 =	vor.u32 v26, v62  }
0x22f: {  	v57 =	vor.u32 v48, v63;
	[tilespmem:v54+s6+$0x0] =	vst.idx.msk $0xffff, v53  }
0x230: {  	[tilespmem:v52+s6+$0x0] =	vst.idx.msk $0xffff, v16;
	v16 =	vld.idx.msk [tilespmem:v58+s22+$0x0], $0xffff;
	v52 =	vor.u32 v26, v57;
	v57 =	vor.u32 v35, v15  }
0x231: {  	v54 =	vor.u32 v37, v15;
	[tilespmem:v60+s6+$0x0] =	vst.idx.msk $0xffff, v55  }
0x232: {  	v62 =	vor.u32 v13, v50;
	[tilespmem:v59+s6+$0x0] =	vst.idx.msk $0xffff, v61;
	v61 =	vor.u32 v36, v15  }
0x233: {  	v58 =	vor.u32 v10, v50;
	[tilespmem:v56+s6+$0x0] =	vst.idx.msk $0xffff, v51;
	v56 =	vor.u32 v42, v62  }
0x234: {  	v60 =	vor.u32 v6, v50;
	v51 =	vor.u32 v26, v56;
	v56 =	vor.u32 v38, v15  }
0x235: {  	[tilespmem:v52+s6+$0x0] =	vst.idx.msk $0xffff, v16;
	v16 =	vld.idx.msk [tilespmem:v57+s22+$0x0], $0xffff;
	v52 =	vor.u32 v44, v58;
	v58 =	vor.u32 v39, v15  }
0x236: {  	s9 =	sor.u32 $0x1, s9;
	v57 =	vor.u32 v45, v60;
	v60 =	vor.u32 v40, v15;
	v15 =	vor.u32 v41, v15  }
0x237: {  	s29 =	sshll.u32 s9, $0x4;
	v59 =	vor.u32 v8, v50;
	v53 =	vld.idx.msk [tilespmem:v61+s22+$0x0], $0xffff;
	v52 =	vor.u32 v26, v52  }
0x238: {  	v12 =	vor.u32 s29, v12;
	v55 =	vor.u32 v43, v59  }
0x239: {  	v59 =	vor.u32 v4, v50;
	v61 =	vor.u32 v2, v50;
	v50 =	vor.u32 v0, v50  }
0x23a: {  	v63 =	vlaneseq.u32;
	v55 =	vor.u32 v26, v55;
	v50 =	vor.u32 v47, v50;
	[tilespmem:v51+s6+$0x0] =	vst.idx.msk $0xffff, v16;
	v51 =	vld.idx.msk [tilespmem:v54+s22+$0x0], $0xffff  }
0x23b: {  	s9 =	sshll.u32 s9, $0x1;
	v50 =	vor.u32 v26, v50;
	v16 =	vor.u32 v46, v59;
	v54 =	vor.u32 v26, v57;
	v15 =	vld.idx.msk [tilespmem:v15+s22+$0x0], $0xffff  }
0x23c: {  	v62 =	vmov s9;
	v57 =	vor.u32 v63, v12;
	v59 =	vor.u32 v27, v12;
	[tilespmem:v52+s6+$0x0] =	vst.idx.msk $0xffff, v53;
	v52 =	vld.idx.msk [tilespmem:v56+s22+$0x0], $0xffff  }
0x23d: {  	v58 =	vld.idx.msk [tilespmem:v58+s22+$0x0], $0xffff;
	v16 =	vor.u32 v26, v16;
	v53 =	vor.u32 v49, v61;
	v56 =	vshll.u32 v62, $0xA  }
0x23e: {  	v60 =	vld.idx.msk [tilespmem:v60+s22+$0x0], $0xffff;
	v53 =	vor.u32 v26, v53;
	v61 =	vor.u32 v24, v56  }
0x23f: {  	v62 =	vor.u32 v14, v56;
	v61 =	vor.u32 v48, v61;
	[tilespmem:v55+s6+$0x0] =	vst.idx.msk $0xffff, v51  }
0x240: {  	v55 =	vor.u32 v26, v61;
	v61 =	vor.u32 v42, v62;
	[tilespmem:v50+s6+$0x0] =	vst.idx.msk $0xffff, v15  }
0x241: {  	v51 =	vld.idx.msk [tilespmem:v57+s22+$0x0], $0xffff;
	v15 =	vor.u32 v28, v12;
	v57 =	vor.u32 v34, v12;
	[tilespmem:v54+s6+$0x0] =	vst.idx.msk $0xffff, v52  }
0x242: {  	v62 =	vld.idx.msk [tilespmem:v59+s22+$0x0], $0xffff;
	v59 =	vor.u32 v26, v61;
	[tilespmem:v16+s6+$0x0] =	vst.idx.msk $0xffff, v58;
	v16 =	vor.u32 v29, v12  }
0x243: {  	v61 =	vor.u32 v9, v56;
	v54 =	vor.u32 v33, v12;
	[tilespmem:v53+s6+$0x0] =	vst.idx.msk $0xffff, v60  }
0x244: {  	v60 =	vor.u32 v11, v56;
	v53 =	vor.u32 v31, v12;
	v52 =	vor.u32 v43, v61  }
0x245: {  	v61 =	vor.u32 v1, v56;
	v50 =	vor.u32 v44, v60;
	v60 =	vor.u32 v5, v56  }
0x246: {  	v52 =	vor.u32 v26, v52;
	v50 =	vor.u32 v26, v50;
	v58 =	vor.u32 v46, v60;
	v15 =	vld.idx.msk [tilespmem:v15+s22+$0x0], $0xffff  }
0x247: {  	v60 =	vor.u32 v3, v56;
	[tilespmem:v59+s6+$0x0] =	vst.idx.msk $0xffff, v62;
	v16 =	vld.idx.msk [tilespmem:v16+s22+$0x0], $0xffff;
	v59 =	vor.u32 v32, v12  }
0x248: {  	v61 =	vor.u32 v47, v61;
	[tilespmem:v55+s6+$0x0] =	vst.idx.msk $0xffff, v51;
	v60 =	vor.u32 v49, v60  }
0x249: {  	v51 =	vor.u32 v30, v12;
	v62 =	vor.u32 v7, v56;
	v54 =	vld.idx.msk [tilespmem:v54+s22+$0x0], $0xffff;
	v60 =	vor.u32 v26, v60  }
0x24a: {  	v58 =	vor.u32 v26, v58;
	v55 =	vor.u32 v45, v62;
	v53 =	vld.idx.msk [tilespmem:v53+s22+$0x0], $0xffff;
	v62 =	vor.u32 v25, v56  }
0x24b: {  	[tilespmem:v50+s6+$0x0] =	vst.idx.msk $0xffff, v15;
	v15 =	vor.u32 v48, v62;
	v48 =	vld.idx.msk [tilespmem:v57+s22+$0x0], $0xffff;
	v50 =	vor.u32 v26, v61  }
0x24c: {  	v62 =	vor.u32 v36, v12;
	[tilespmem:v52+s6+$0x0] =	vst.idx.msk $0xffff, v16;
	v16 =	vld.idx.msk [tilespmem:v59+s22+$0x0], $0xffff;
	v15 =	vor.u32 v26, v15;
	_ =	sdelay $0x1  }
0x24d: {  	[tilespmem:v60+s6+$0x0] =	vst.idx.msk $0xffff, v54  }
0x24e: {  	v59 =	vor.u32 v38, v12;
	[tilespmem:v58+s6+$0x0] =	vst.idx.msk $0xffff, v53  }
0x24f: {  	v55 =	vor.u32 v26, v55;
	v51 =	vld.idx.msk [tilespmem:v51+s22+$0x0], $0xffff;
	v61 =	vor.u32 v35, v12;
	[tilespmem:v50+s6+$0x0] =	vst.idx.msk $0xffff, v48  }
0x250: {  	v58 =	vor.u32 v10, v56;
	v48 =	vld.idx.msk [tilespmem:v62+s22+$0x0], $0xffff;
	v62 =	vor.u32 v6, v56;
	[tilespmem:v15+s6+$0x0] =	vst.idx.msk $0xffff, v16  }
0x251: {  	v15 =	vor.u32 v13, v56;
	v16 =	vor.u32 v37, v12;
	v45 =	vor.u32 v45, v62  }
0x252: {  	v15 =	vor.u32 v42, v15;
	v42 =	vor.u32 v44, v58;
	v44 =	vor.u32 v39, v12  }
0x253: {  	v53 =	vor.u32 v40, v12;
	v50 =	vld.idx.msk [tilespmem:v59+s22+$0x0], $0xffff;
	v12 =	vor.u32 v41, v12;
	v45 =	vor.u32 v26, v45  }
0x254: {  	[tilespmem:v55+s6+$0x0] =	vst.idx.msk $0xffff, v51;
	v51 =	vld.idx.msk [tilespmem:v61+s22+$0x0], $0xffff;
	v61 =	vor.u32 v8, v56;
	v15 =	vor.u32 v26, v15  }
0x255: {  	v43 =	vor.u32 v43, v61;
	v58 =	vor.u32 v4, v56;
	v42 =	vor.u32 v26, v42  }
0x256: {  	v61 =	vor.u32 v0, v56;
	v43 =	vor.u32 v26, v43;
	v46 =	vor.u32 v46, v58;
	v16 =	vld.idx.msk [tilespmem:v16+s22+$0x0], $0xffff  }
0x257: {  	v59 =	vor.u32 v2, v56;
	v47 =	vor.u32 v47, v61;
	v46 =	vor.u32 v26, v46;
	v44 =	vld.idx.msk [tilespmem:v44+s22+$0x0], $0xffff  }
0x258: {  	s5 =	sadd.s32 $0x20, s5;
	v49 =	vor.u32 v49, v59;
	v62 =	vor.u32 v26, v47;
	v12 =	vld.idx.msk [tilespmem:v12+s22+$0x0], $0xffff;
	[tilespmem:v45+s6+$0x0] =	vst.idx.msk $0xffff, v50  }
0x259: {  	p0 =	slt.u32 s5, $0x1E0;
	v49 =	vor.u32 v26, v49;
	[tilespmem:v15+s6+$0x0] =	vst.idx.msk $0xffff, v51;
	v15 =	vld.idx.msk [tilespmem:v53+s22+$0x0], $0xffff  }
.Ltmp18:
0x25a: {  	[tilespmem:v42+s6+$0x0] =	vst.idx.msk $0xffff, v48;
	(pc) =	sbr.rel @p0 .LBB2_27-.Ltmp18, $4  }
0x25b: {  	[tilespmem:v43+s6+$0x0] =	vst.idx.msk $0xffff, v16  }
0x25c: {  	[tilespmem:v46+s6+$0x0] =	vst.idx.msk $0xffff, v44  }
0x25d: {  	v57 =	vmov v21;
	[tilespmem:v62+s6+$0x0] =	vst.idx.msk $0xffff, v12  }
0x25e: {  	s8 =	sadd.s32 $0x2, s8;
	s7 =	sadd.s32 $0x8, s7;
	v60 =	vmovc v22;
	v54 =	vmovc v18;
	v55 =	vmov v19;
	v56 =	vmov v20;
	v53 =	vld [tilespmem:$0x1FFF0];
	[tilespmem:v49+s6+$0x0] =	vst.idx.msk $0xffff, v15;
	v15 =	vmov v23  }
0x25f: {  	p0 =	seq.s32 s11, $0x27  }
.Ltmp19:
0x260: {  	s5 =	rddreg [dreg:$0x8];
	(pc) =	sbr.rel @p0 .LBB2_30-.Ltmp19, $4  }
0x261: {  	s5 =	sadd.s32 s5, s14  }
0x262: {  	s5 =	sshrl.u32 s5, $0x3  }
0x263: {  	s5 =	sadd.s32 s2, s5  }
0x264: {  	[hbm4b:s5+s25] =	stream.strided.scatter [tilespmem:s6], [sflag:$0xA], $0x2000, s26, s25, $0x38;
	[tilespmem:$0x1A400] =	vst v63  }
0x265: {  	s5 =	smul.u32 $0xA00, s11  }
.Ltmp20:
0x266: {  	_ = 	snop;
	(pc) =	sbr.rel .LBB2_2-.Ltmp20, $4  }
0x267: {  	_ = 	snop  }
0x268: {  	s5 =	sshra.s32 s5, $0x2  }
0x269: {  	s11 =	sadd.s32 $0x1, s11;
	v12 =	vld [tilespmem:$0x1FF00];
	s5 =	sadd.s32 $0x480, s5  }
0x26a: {  	v16 =	vld [tilespmem:$0x1FEF0];
	[tilespmem:s22], [sflag:$0x5] =	stream.indirect.gather [hbm4b:s4+s12], $0x40, s5, s12, $0xb8  }
.LBB2_31:
0x26b: {  	_ =	sfence.sel $0x180000  }
0x26c: {  	[bflag:$0x0] =	sbarrier.arrive $0xFFFF  }
0x26d: {  	_ =	strace $0x90000047  }
0x26e: {  	s0 =	stileid.u32;
	[bflag:$0x2] =	sbarrier.arrive $0xFFFF  }
0x26f: {  	p0 =	sne.s32 s0, $0x0;
	s0 =	rddreg [dreg:$0x2]  }
0x270: {  	s0 =	sadd.s32 @!p0 $0x100000, s0  }
0x271: {  	[sflag:s0] =	ssyncadd.tile.s32 @!p0 $0x1;
	_ =	shalt  }
.Lfunc_end2:
_tile_overlayer_lowered:
.L_overlay_start_2:
0x272: {  	(tag) =	ssettag $0x2  }
0x273: {  	s0 =	rddreg [dreg:$0x0];
	s2 =	stileid.u32  }
0x274: {  	s1 =	rddreg [dreg:$0x1];
	p0 =	sne.s32 s2, $0x0  }
0x275: {  	s3 =	rddreg [dreg:$0x2];
	[bflag:$0x3] =	sbarrier.arrive $0xFFFF;
	s2 =	simm.s32 @!p0 $0x1C0B  }
0x276: {  	[timem:s3], [sflag:s2] =	dma.local @!p0 [hbm:s0], s1  }
0x277: {  	s0 =	simm.s32 @!p0 $0xB  }
0x278: {  	_ =	swait.ge @!p0 [sflag:s0], s1  }
0x279: {  	s1 =	ssub.s32 @!p0 $0x0, s1;
	[sflag:s0] =	ssyncset.done @!p0 $0x0  }
0x27a: {  	[sflag:s0] =	ssyncadd.s32 @!p0 s1  }
0x27b: {  	[bflag:$0x3] =	sbarrier.arrive $0xFFFF  }
0x27c: {  	_ =	shalt  }

</sc_bundles>
